<compile_context>
chip_gen: v7x
topology: tpu7x:2x2x1
jax: 0.10.2.dev20260603
libtpu: 0.0.44.dev20260713+nightly
codegen_flags: <defaults>
</compile_context>

<pallas_src>
import jax
import jax.numpy as jnp
from jax.experimental import pallas as pl
from jax.experimental.pallas import tpu as pltpu
from jax.experimental.pallas import tpu_sc as plsc

B, S, D = 2, 2048, 1024
E, K = 8, 2
H = 2 * D
AD = H // 16
T = B * S

BLK1 = 1024
BLK2 = 1024
PREP_N = 4
XBLK = T // PREP_N

_bf16 = jnp.bfloat16
_f32 = jnp.float32


def _lnk(h, g, b, eps=1e-5):
    m = jnp.mean(h, axis=-1, keepdims=True)
    v = jnp.mean((h - m) * (h - m), axis=-1, keepdims=True)
    return (h - m) * jax.lax.rsqrt(v + eps) * g + b


def _dot_t(a, w):
    return jax.lax.dot_general(a, w, (((1,), (1,)), ((), ())),
                               preferred_element_type=_f32)


def _mm(a, b):
    return jax.lax.dot_general(a, b, (((1,), (0,)), ((), ())),
                               preferred_element_type=_f32)


def _prep_kernel(wup_ref, wgate_ref, wdown_ref, wpre_ref, wpost_ref,
                 wadapt_ref, aexp_ref, wout_ref, wexp_ref,
                 x_ref, wr_ref, gr_ref, br_ref, temp_ref,
                 oup_ref, ogate_ref, odown_ref, opre_ref, opost_ref,
                 oacat_ref, owda_ref, owcomb_ref, rw_ref, stats_ref):
    oup_ref[...] = wup_ref[...].astype(_bf16)
    ogate_ref[...] = wgate_ref[...].astype(_bf16)
    wd = wdown_ref[...].astype(_bf16)
    odown_ref[...] = wd
    owda_ref[...] = (0.1 * _mm(wd, wadapt_ref[...].astype(_bf16))
                     ).astype(_bf16)
    owcomb_ref[...] = _mm(wout_ref[...].astype(_bf16),
                          wexp_ref[...].astype(_bf16)).astype(_bf16)

    @pl.when(pl.program_id(0) == 0)
    def _smalls():
        opre_ref[...] = wpre_ref[...].astype(_bf16)
        opost_ref[...] = wpost_ref[...].astype(_bf16)
        for e in range(E):
            oacat_ref[:, e * AD:(e + 1) * AD] = (
                aexp_ref[e].T.astype(_bf16))

    raw_t = jax.lax.dot_general(wr_ref[...], x_ref[...],
                                (((1,), (1,)), ((), ())),
                                preferred_element_type=_f32,
                                precision=jax.lax.Precision.DEFAULT)
    m = jnp.mean(raw_t, axis=0, keepdims=True)
    v = jnp.mean((raw_t - m) * (raw_t - m), axis=0, keepdims=True)
    logits_t = (raw_t - m) * jax.lax.rsqrt(v + 1e-5) * gr_ref[...] + br_ref[...]
    z = logits_t / (temp_ref[0, 0] + 1e-6)
    z = z - jnp.max(z, axis=0, keepdims=True)
    ez = jnp.exp(z)
    rw_ref[...] = ez / jnp.sum(ez, axis=0, keepdims=True)

    zp = jnp.sum(logits_t * logits_t)
    li = jax.lax.broadcasted_iota(jnp.int32, (E, 128), 1)
    si = jax.lax.broadcasted_iota(jnp.int32, (E, 128), 0)
    srow = jnp.where((li == 1) & (si == 0), zp, 0.0).reshape(1, E, 128)
    i = pl.program_id(0)

    @pl.when(i % (S // XBLK) == 0)
    def _init():
        stats_ref[...] = srow

    @pl.when(i % (S // XBLK) != 0)
    def _acc():
        stats_ref[...] += srow


def _sc_dispatch_body(rw_hbm, disp_hbm):
    def body(rw_vmem, disp_vmem):
        @pl.loop(0, 128, step=16)
        def _(c):
            sl = pl.ds(c, 16)
            m1 = jnp.full((1, 16), -jnp.inf, _f32)
            m2 = jnp.full((1, 16), -jnp.inf, _f32)
            i1 = jnp.zeros((1, 16), jnp.int32)
            i2 = jnp.zeros((1, 16), jnp.int32)
            for e in range(E):
                ve = rw_vmem.at[e:e + 1, sl][...]
                gt1 = ve > m1
                gt2 = ve > m2
                i2 = jnp.where(gt1, i1, jnp.where(gt2, e, i2))
                m2 = jnp.where(gt1, m1, jnp.where(gt2, ve, m2))
                i1 = jnp.where(gt1, e, i1)
                m1 = jnp.where(gt1, ve, m1)
            for e in range(E):
                disp_vmem.at[e:e + 1, sl][...] = (
                    jnp.where(i1 == e, m1, 0.0)
                    + jnp.where(i2 == e, m2, 0.0))

    pltpu.emit_pipeline(
        body,
        grid=(T // 128,),
        in_specs=[pl.BlockSpec((E, 128), lambda i: (0, i))],
        out_specs=[pl.BlockSpec((E, 128), lambda i: (0, i))],
        core_axis_name=("c", "s"),
        dimension_semantics=(pltpu.PARALLEL,),
    )(rw_hbm, disp_hbm)


def _stage1_kernel(x_ref, wup_ref, wgate_ref, wpre_ref, wpost_ref,
                   wdown_ref, bup_ref, bgate_ref, bpre_ref, bpost_ref,
                   ga_ref, ba_ref, bdown_ref,
                   y0_ref, ai_ref, ao_ref, aln_ref):
    xb = x_ref[...]
    xbf = xb.astype(_bf16)

    up = _dot_t(xbf, wup_ref[...]) + bup_ref[...]
    gate = _dot_t(xbf, wgate_ref[...]) + bgate_ref[...]
    hidden = jax.nn.silu(gate) * up
    hidden_bf = hidden.astype(_bf16)

    pre = _dot_t(xbf, wpre_ref[...])
    ga = ga_ref[...]
    ba = ba_ref[...]
    adapt_in = _lnk(pre + bpre_ref[...], ga, ba)
    a_ln = _lnk(pre, ga, ba)
    adapt_out = _lnk(_dot_t(hidden_bf, wpost_ref[...]) + bpost_ref[...], ga, ba)
    ai_ref[...] = adapt_in.astype(_bf16)
    ao_ref[...] = adapt_out.astype(_bf16)
    aln_ref[...] = a_ln.astype(_bf16)

    y0_ref[...] = (xb + bdown_ref[...]
                   + _dot_t(hidden_bf, wdown_ref[...])).astype(_bf16)


def _stage2_kernel(y0_ref, aiall_ref, aoall_ref, aib_ref, aln_ref,
                   disp_ref, acat_ref, wda_ref, wcomb_ref, gexp_ref,
                   bexp_ref, zstats_ref, y_ref, rloss_ref, load_ref):
    aw = _dot_t(aib_ref[...], aoall_ref[...]).astype(_bf16)
    aw = jax.nn.silu(jnp.clip(aw, _bf16(-5.0), _bf16(5.0)))
    adapt = jax.lax.dot_general(aw, aiall_ref[...],
                                (((1,), (0,)), ((), ())),
                                preferred_element_type=_f32)

    r8 = (jax.lax.broadcasted_iota(jnp.int32, (E, E * AD), 1) // AD
          == jax.lax.broadcasted_iota(jnp.int32, (E, E * AD), 0))
    r8 = r8.astype(_bf16)
    mavg = (jax.lax.broadcasted_iota(jnp.int32, (E * AD, E), 0) // AD
            == jax.lax.broadcasted_iota(jnp.int32, (E * AD, E), 1))
    mavg = mavg.astype(_bf16) * (1.0 / AD)
    rsum = (jax.lax.broadcasted_iota(jnp.int32, (E * AD, AD), 0) % AD
            == jax.lax.broadcasted_iota(jnp.int32, (E * AD, AD), 1))
    rsum = rsum.astype(_bf16)

    h_all = _mm(aln_ref[...], acat_ref[...])
    mean8 = _mm(h_all.astype(_bf16), mavg)
    ex28 = _mm((h_all * h_all).astype(_bf16), mavg)
    mean_full = _mm(mean8.astype(_bf16), r8)
    ex2_full = _mm(ex28.astype(_bf16), r8)
    rinv = jax.lax.rsqrt(jnp.maximum(ex2_full - mean_full * mean_full, 0.0)
                         + 1e-5)
    hl_all = (h_all - mean_full) * rinv * gexp_ref[...] + bexp_ref[...]
    disp_t = disp_ref[...]
    dfull = jax.lax.dot_general(disp_t.astype(_bf16), r8,
                                (((0,), (0,)), ((), ())),
                                preferred_element_type=_f32)
    mixed = _mm((hl_all * dfull).astype(_bf16), rsum)

    y_ref[...] = (y0_ref[...]
                  + _dot_t(adapt.astype(_bf16), wda_ref[...])
                  + _dot_t(mixed.astype(_bf16), wcomb_ref[...]))

    i = pl.program_id(0)
    colE = jnp.sum(disp_t, axis=1, keepdims=True)
    li = jax.lax.broadcasted_iota(jnp.int32, (E, 128), 1)
    srow = jnp.where(li == 0, colE, 0.0).reshape(1, E, 128)

    @pl.when(i == 0)
    def _zero():
        load_ref[...] = jnp.zeros((B, E, 128), _f32)

    nb = S // BLK2

    @pl.when(i < nb)
    def _b0():
        load_ref[0:1] += srow

    @pl.when(i >= nb)
    def _b1():
        load_ref[1:2] += srow

    @pl.when(i == T // BLK2 - 1)
    def _loss():
        loads = load_ref[...][:, :, 0] * (1.0 / S)
        zsum = jnp.sum(zstats_ref[...][:, 0:1, 1:2])
        mean_l = jnp.mean(loads)
        var = jnp.sum((loads - mean_l) * (loads - mean_l)) / (B * E - 1)
        lb = jnp.sqrt(var) / mean_l * 10.0
        zl = zsum * (1.0 / (T * E))
        val = 0.001 * zl + 0.1 * lb
        rloss_ref[...] = jnp.full((1, 128), val, _f32)


def kernel(x, W_router, g_router, b_router, temperature, W_up, b_up, W_gate,
           b_gate, W_down, b_down, W_pre, b_pre, W_post, b_post, g_adapt,
           b_adapt, W_adapt_proj, A_experts, g_exp, b_exp, W_expert_proj,
           W_output_proj):
    xf = x.reshape(T, D)
    r2 = lambda v: v.reshape(1, -1)
    c0 = lambda i: (0, 0)
    c000 = lambda i: (0, 0, 0)
    row_map = lambda i: (i, 0)
    col_map = lambda i: (0, i)

    (wup, wgate, wdown, wpre, wpost, acat, wda, wcomb, rw,
     zstats) = pl.pallas_call(
        _prep_kernel,
        grid=(PREP_N,),
        in_specs=[
            pl.BlockSpec((H // PREP_N, D), row_map),
            pl.BlockSpec((H // PREP_N, D), row_map),
            pl.BlockSpec((D // PREP_N, H), row_map),
            pl.BlockSpec((AD, D), c0),
            pl.BlockSpec((AD, H), c0),
            pl.BlockSpec((H, AD), c0),
            pl.BlockSpec((E, AD, AD), c000),
            pl.BlockSpec((D // PREP_N, H), row_map),
            pl.BlockSpec((H, AD), c0),
            pl.BlockSpec((XBLK, D), row_map),
            pl.BlockSpec((E, D), c0),
            pl.BlockSpec((E, 1), c0),
            pl.BlockSpec((E, 1), c0),
            pl.BlockSpec((1, 1), c0),
        ],
        out_specs=[
            pl.BlockSpec((H // PREP_N, D), row_map),
            pl.BlockSpec((H // PREP_N, D), row_map),
            pl.BlockSpec((D // PREP_N, H), row_map),
            pl.BlockSpec((AD, D), c0),
            pl.BlockSpec((AD, H), c0),
            pl.BlockSpec((AD, E * AD), c0),
            pl.BlockSpec((D // PREP_N, AD), row_map),
            pl.BlockSpec((D // PREP_N, AD), row_map),
            pl.BlockSpec((E, XBLK), col_map),
            pl.BlockSpec((1, E, 128), lambda i: (i // (S // XBLK), 0, 0)),
        ],
        out_shape=[
            jax.ShapeDtypeStruct((H, D), _bf16),
            jax.ShapeDtypeStruct((H, D), _bf16),
            jax.ShapeDtypeStruct((D, H), _bf16),
            jax.ShapeDtypeStruct((AD, D), _bf16),
            jax.ShapeDtypeStruct((AD, H), _bf16),
            jax.ShapeDtypeStruct((AD, E * AD), _bf16),
            jax.ShapeDtypeStruct((D, AD), _bf16),
            jax.ShapeDtypeStruct((D, AD), _bf16),
            jax.ShapeDtypeStruct((E, T), _f32),
            jax.ShapeDtypeStruct((B, E, 128), _f32),
        ],
        compiler_params=pltpu.CompilerParams(
            dimension_semantics=("arbitrary",)),
    )(W_up, W_gate, W_down, W_pre, W_post, W_adapt_proj, A_experts,
      W_output_proj, W_expert_proj, xf, W_router,
      g_router.reshape(E, 1), b_router.reshape(E, 1),
      temperature.reshape(1, 1))

    vmesh = plsc.VectorSubcoreMesh(core_axis_name="c", subcore_axis_name="s")
    disp = pl.kernel(
        _sc_dispatch_body,
        out_type=jax.ShapeDtypeStruct((E, T), _f32),
        mesh=vmesh,
    )(rw)

    n1 = T // BLK1
    y0, ai, ao, aln = pl.pallas_call(
        _stage1_kernel,
        grid=(n1,),
        in_specs=[
            pl.BlockSpec((BLK1, D), row_map),
            pl.BlockSpec((H, D), c0),
            pl.BlockSpec((H, D), c0),
            pl.BlockSpec((AD, D), c0),
            pl.BlockSpec((AD, H), c0),
            pl.BlockSpec((D, H), c0),
            pl.BlockSpec((1, H), c0),
            pl.BlockSpec((1, H), c0),
            pl.BlockSpec((1, AD), c0),
            pl.BlockSpec((1, AD), c0),
            pl.BlockSpec((1, AD), c0),
            pl.BlockSpec((1, AD), c0),
            pl.BlockSpec((1, D), c0),
        ],
        out_specs=[
            pl.BlockSpec((BLK1, D), row_map),
            pl.BlockSpec((BLK1, AD), row_map),
            pl.BlockSpec((BLK1, AD), row_map),
            pl.BlockSpec((BLK1, AD), row_map),
        ],
        out_shape=[
            jax.ShapeDtypeStruct((T, D), _bf16),
            jax.ShapeDtypeStruct((T, AD), _bf16),
            jax.ShapeDtypeStruct((T, AD), _bf16),
            jax.ShapeDtypeStruct((T, AD), _bf16),
        ],
        compiler_params=pltpu.CompilerParams(
            dimension_semantics=("arbitrary",)),
    )(xf, wup, wgate, wpre, wpost, wdown, r2(b_up), r2(b_gate),
      r2(b_pre), r2(b_post), r2(g_adapt), r2(b_adapt), r2(b_down))

    n2 = T // BLK2
    batch_map = lambda i: (i // (S // BLK2), 0)
    y2, rl, _loads = pl.pallas_call(
        _stage2_kernel,
        grid=(n2,),
        in_specs=[
            pl.BlockSpec((BLK2, D), row_map),
            pl.BlockSpec((S, AD), batch_map),
            pl.BlockSpec((S, AD), batch_map),
            pl.BlockSpec((BLK2, AD), row_map),
            pl.BlockSpec((BLK2, AD), row_map),
            pl.BlockSpec((E, BLK2), col_map),
            pl.BlockSpec((AD, E * AD), c0),
            pl.BlockSpec((D, AD), c0),
            pl.BlockSpec((D, AD), c0),
            pl.BlockSpec((1, E * AD), c0),
            pl.BlockSpec((1, E * AD), c0),
            pl.BlockSpec((B, E, 128), c000),
        ],
        out_specs=[
            pl.BlockSpec((BLK2, D), row_map),
            pl.BlockSpec((1, 128), c0),
            pl.BlockSpec((B, E, 128), c000),
        ],
        out_shape=[
            jax.ShapeDtypeStruct((T, D), _f32),
            jax.ShapeDtypeStruct((1, 128), _f32),
            jax.ShapeDtypeStruct((B, E, 128), _f32),
        ],
        compiler_params=pltpu.CompilerParams(
            dimension_semantics=("arbitrary",)),
    )(y0, ai, ao, ai, aln, disp, acat, wda, wcomb,
      g_exp.reshape(1, E * AD), b_exp.reshape(1, E * AD), zstats)

    return (y2.reshape(B, S, D), rl[0, 0])

# --- scband reference (transcript-rebuilt; emitter-appended) ---
"""Pipeline reference for scband-mo-eencoder-decoder-gpt-15126874817031 (READ-ONLY COPY).

The authoritative reference and input builder live on the scoring server;
editing this copy changes nothing except your own understanding.
"""

import jax, jax.numpy as jnp
import numpy as np

B, S, D = 2, 2048, 1024
E, K = 8, 2
H = 2 * D
AD = H // 16

def _ln(x, g, b, eps=1e-5):
    m = jnp.mean(x, axis=-1, keepdims=True)
    v = jnp.var(x, axis=-1, keepdims=True)
    return (x - m) * jax.lax.rsqrt(v + eps) * g + b

def setup_inputs(seed: int = 0):
    key = jax.random.key(seed)
    ks = jax.random.split(key, 16)
    s = 1.0 / np.sqrt(D)
    a_s = 0.01 * s
    e_s = 0.01 / np.sqrt(AD)
    return {
        "x": jax.random.normal(ks[0], (B, S, D), jnp.float32),
        "W_router": jax.random.normal(ks[1], (E, D), jnp.float32) * (0.01 / np.sqrt(D)),
        "g_router": jnp.ones((E,), jnp.float32),
        "b_router": jnp.zeros((E,), jnp.float32),
        "temperature": jnp.array(0.5, jnp.float32),
        "W_up": jax.random.normal(ks[2], (H, D), jnp.float32) * s,
        "b_up": jnp.zeros((H,), jnp.float32),
        "W_gate": jax.random.normal(ks[3], (H, D), jnp.float32) * s,
        "b_gate": jnp.zeros((H,), jnp.float32),
        "W_down": jax.random.normal(ks[4], (D, H), jnp.float32) * s,
        "b_down": jnp.zeros((D,), jnp.float32),
        "W_pre": jax.random.normal(ks[5], (AD, D), jnp.float32) * a_s,
        "b_pre": jnp.zeros((AD,), jnp.float32),
        "W_post": jax.random.normal(ks[6], (AD, H), jnp.float32) * a_s,
        "b_post": jnp.zeros((AD,), jnp.float32),
        "g_adapt": jnp.ones((AD,), jnp.float32),
        "b_adapt": jnp.zeros((AD,), jnp.float32),
        "W_adapt_proj": jax.random.normal(ks[7], (H, AD), jnp.float32) * a_s,
        "A_experts": jax.random.normal(ks[8], (E, AD, AD), jnp.float32) * e_s,
        "g_exp": jnp.ones((E, AD), jnp.float32),
        "b_exp": jnp.zeros((E, AD), jnp.float32),
        "W_expert_proj": jax.random.normal(ks[9], (H, AD), jnp.float32) * e_s,
        "W_output_proj": jax.random.normal(ks[10], (D, H), jnp.float32) * e_s,
    }

def reference(x, W_router, g_router, b_router, temperature, W_up, b_up, W_gate, b_gate, W_down, b_down, W_pre, b_pre, W_post, b_post, g_adapt, b_adapt, W_adapt_proj, A_experts, g_exp, b_exp, W_expert_proj, W_output_proj):
    b, s_len, d = x.shape
    T = b * s_len
    xf = x.reshape(T, d)
    # Router: linear -> LayerNorm over experts -> temperature softmax -> top-k dispatch mask
    logits = _ln(xf @ W_router.T, g_router, b_router)
    rw = jax.nn.softmax(logits / (temperature + 1e-6), axis=-1)
    tkw, tki = jax.lax.top_k(rw, K)
    dispatch = jnp.zeros_like(rw).at[jnp.arange(T)[:, None], tki].set(tkw)
    dmask = dispatch.reshape(b, s_len, -1)
    expert_load = dmask.mean(axis=1)
    lb_loss = jnp.std(expert_load, ddof=1) / jnp.mean(expert_load) * 10
    z_loss = jnp.mean(jnp.square(logits))
    router_loss = 0.001 * z_loss + 0.1 * lb_loss
    # SharedExpertMLP
    up = x @ W_up.T + b_up
    gate = x @ W_gate.T + b_gate
    hidden = jax.nn.silu(gate) * up
    adapt_in = _ln(x @ W_pre.T + b_pre, g_adapt, b_adapt)
    adapt_out = _ln(hidden @ W_post.T + b_post, g_adapt, b_adapt)
    aw = jnp.einsum('bsa,bta->bst', adapt_in, adapt_out)
    aw = jax.nn.silu(jnp.clip(aw, -5.0, 5.0))
    adapt = jnp.einsum('bst,bta->bsa', aw, adapt_in)
    adapt = 0.1 * (adapt @ W_adapt_proj.T)
    hidden = hidden + adapt
    shared_out = hidden @ W_down.T + b_down  # dropout p=0 at inference
    # ExpertGroup adaptation path (per-expert adapters + shared projections)
    a = _ln(xf @ W_pre.T, g_adapt, b_adapt)  # mm with pre_adapt weight (no bias), adapt_norm
    h = jnp.einsum('ta,eoa->teo', a, A_experts)
    h = _ln(h, g_exp[None, :, :], b_exp[None, :, :])
    mixed = jnp.einsum('te,tea->ta', dispatch, h)  # dispatch-weighted expert mixing
    expert_out = (mixed @ W_expert_proj.T) @ W_output_proj.T
    y = x + shared_out + expert_out.reshape(b, s_len, d)
    return (y, router_loss)

if __name__ == "__main__":
    import jax
    _d = setup_inputs()
    print(jax.jit(kernel)(*tuple(_d.values())))

</pallas_src>

<mosaic_0001>
#map = affine_map<(d0, d1) -> (0, 0)>
module attributes {stable_mosaic.version = 14 : i64} {
  func.func @_sc_dispatch_body(%arg0: i32, %arg1: i32, %arg2: memref<8x4096xf32, #tpu.memory_space<hbm>>, %arg3: memref<8x4096xf32, #tpu.memory_space<hbm>>) attributes {dimension_semantics = [#tpu.dimension_semantics<core_parallel>, #tpu.dimension_semantics<subcore_parallel>], iteration_bounds = array<i64: 2, 16>, scalar_prefetch = 0 : i64, scratch_operands = 0 : i64, tpu.core_type = #tpu.core_type<sc_vector_subcore>, window_params = [{transform_indices = #map}, {transform_indices = #map}]} {
    %mul3A = arith.constant 1 : i32
    %mul3A_0 = arith.muli %arg1, %mul3A : i32
    %add3A = arith.constant 0 : i32
    %add3A_1 = arith.addi %add3A, %mul3A_0 : i32
    %mul3A_2 = arith.constant 16 : i32
    %mul3A_3 = arith.muli %arg0, %mul3A_2 : i32
    %add3A_4 = arith.addi %add3A_1, %mul3A_3 : i32
    %mul3A_5 = arith.constant 1 : i32
    %mul3A_6 = arith.muli %add3A_4, %mul3A_5 : i32
    "tpu.region"() ({
      %run_scoped3A = memref.alloca() : memref<2x8x128xf32, #tpu.memory_space<vmem>>
      %run_scoped3A_7 = tpu.sem_alloc : memref<2x!tpu.dma_semaphore, #tpu.memory_space<semaphore_mem>>
      %run_scoped3A_8 = memref.alloca() : memref<2x8x128xf32, #tpu.memory_space<vmem>>
      %run_scoped3A_9 = tpu.sem_alloc : memref<2x!tpu.dma_semaphore, #tpu.memory_space<semaphore_mem>>
      %add3A_10 = arith.constant 0 : i32
      %add3A_11 = arith.addi %add3A_10, %mul3A_6 : i32
      %select_n3A = arith.constant true
      %select_n3A_12 = arith.constant 0 : i32
      %select_n3A_13 = arith.constant -1 : i32
      %select_n3A_14 = arith.select %select_n3A, %select_n3A_13, %select_n3A_12 : i32
      %eq3A = arith.constant -1 : i32
      %eq3A_15 = arith.cmpi eq, %select_n3A_14, %eq3A : i32
      %select_n3A_16 = arith.constant 0 : i32
      %select_n3A_17 = arith.select %eq3A_15, %select_n3A_16, %select_n3A_14 : i32
      %add3A_18 = arith.constant 0 : i32
      %add3A_19 = arith.addi %add3A_18, %mul3A_6 : i32
      %select_n3A_20 = arith.constant true
      %select_n3A_21 = arith.constant 0 : i32
      %select_n3A_22 = arith.constant 1 : i32
      %select_n3A_23 = arith.select %select_n3A_20, %select_n3A_22, %select_n3A_21 : i32
      %eq3A_24 = arith.constant 1 : i32
      %eq3A_25 = arith.cmpi eq, %select_n3A_23, %eq3A_24 : i32
      %select_n3A_26 = arith.constant 0 : i32
      %select_n3A_27 = arith.select %eq3A_25, %select_n3A_26, %select_n3A_23 : i32
      %add3A_28 = arith.constant 0 : i32
      %add3A_29 = arith.addi %add3A_28, %mul3A_6 : i32
      %select_n3A_30 = arith.constant true
      %select_n3A_31 = arith.constant 0 : i32
      %select_n3A_32 = arith.constant 1 : i32
      %select_n3A_33 = arith.select %select_n3A_30, %select_n3A_32, %select_n3A_31 : i32
      %eq3A_34 = arith.constant 1 : i32
      %eq3A_35 = arith.cmpi eq, %select_n3A_33, %eq3A_34 : i32
      %select_n3A_36 = arith.constant 0 : i32
      %select_n3A_37 = arith.select %eq3A_35, %select_n3A_36, %select_n3A_33 : i32
      %add3A_38 = arith.constant 0 : i32
      %add3A_39 = arith.addi %add3A_38, %mul3A_6 : i32
      "tpu.trace_start"() <{level = 10 : i32, message = "ep_initialize_0"}> : () -> ()
      %rem3A = arith.constant 0 : i32
      %rem3A_40 = arith.constant 2 : i32
      %rem3A_41 = arith.remui %rem3A, %rem3A_40 : i32
      %mul3A_42 = arith.constant 128 : i32
      %mul3A_43 = arith.muli %mul3A_42, %add3A_11 : i32
      %dma_start3A = arith.constant 0 : i32
      %dma_start3A_44 = arith.constant 0 : i32
      %dma_start3A_45 = tpu.memref_slice %run_scoped3A[%rem3A_41, %dma_start3A, %dma_start3A_44] : memref<2x8x128xf32, #tpu.memory_space<vmem>> -> memref<1x8x128xf32, #tpu.memory_space<vmem>>
      %dma_start3A_46 = tpu.memref_squeeze %dma_start3A_45 : memref<1x8x128xf32, #tpu.memory_space<vmem>> -> memref<8x128xf32, #tpu.memory_space<vmem>>
      %dma_start3A_47 = arith.constant 0 : i32
      %dma_start3A_48 = tpu.memref_slice %arg2[%dma_start3A_47, %mul3A_43] : memref<8x4096xf32, #tpu.memory_space<hbm>> -> memref<8x128xf32, #tpu.memory_space<hbm>>
      %dma_start3A_49 = tpu.memref_slice %run_scoped3A_7[%rem3A_41] : memref<2x!tpu.dma_semaphore, #tpu.memory_space<semaphore_mem>> -> memref<1x!tpu.dma_semaphore, #tpu.memory_space<semaphore_mem>>
      %dma_start3A_50 = tpu.memref_squeeze %dma_start3A_49 : memref<1x!tpu.dma_semaphore, #tpu.memory_space<semaphore_mem>> -> memref<!tpu.dma_semaphore, #tpu.memory_space<semaphore_mem>>
      %dma_start3A_51 = arith.constant 0 : i32
      %dma_start3A_52 = arith.constant 0 : i32
      %dma_start3A_53 = tpu.memref_slice %run_scoped3A[%rem3A_41, %dma_start3A_51, %dma_start3A_52] : memref<2x8x128xf32, #tpu.memory_space<vmem>> -> memref<1x8x128xf32, #tpu.memory_space<vmem>>
      %dma_start3A_54 = tpu.memref_squeeze %dma_start3A_53 : memref<1x8x128xf32, #tpu.memory_space<vmem>> -> memref<8x128xf32, #tpu.memory_space<vmem>>
      %dma_start3A_55 = arith.constant 0 : i32
      %dma_start3A_56 = tpu.memref_slice %arg2[%dma_start3A_55, %mul3A_43] : memref<8x4096xf32, #tpu.memory_space<hbm>> -> memref<8x128xf32, #tpu.memory_space<hbm>>
      tpu.enqueue_dma source(%dma_start3A_56 : memref<8x128xf32, #tpu.memory_space<hbm>>) target(%dma_start3A_54 : memref<8x128xf32, #tpu.memory_space<vmem>>) target_semaphore(%dma_start3A_50 : memref<!tpu.dma_semaphore, #tpu.memory_space<semaphore_mem>>)
      %add3A_57 = arith.constant 0 : i32
      %add3A_58 = arith.constant 1 : i32
      %add3A_59 = arith.addi %add3A_57, %add3A_58 : i32
      %select_n3A_60 = arith.constant true
      %select_n3A_61 = arith.constant 0 : i32
      %select_n3A_62 = arith.select %select_n3A_60, %add3A_59, %select_n3A_61 : i32
      "tpu.trace_stop"() : () -> ()
      %scan3A = arith.constant 0 : i32
      %scan3A_63 = arith.constant 0 : i32
      %scan3A_64 = arith.constant 0 : i32
      %scan3A_65 = arith.constant 0 : i32
      %scan3A_66 = arith.constant 0 : i32
      %eq3A_67 = arith.constant 0 : i32
      %eq3A_68 = arith.cmpi eq, %scan3A_66, %eq3A_67 : i32
      %eq3A_69 = arith.constant 0 : i32
      %eq3A_70 = arith.cmpi eq, %scan3A_66, %eq3A_69 : i32
      %add3A_71 = arith.constant 0 : i32
      %add3A_72 = arith.addi %add3A_71, %mul3A_6 : i32
      %select_n3A_73 = arith.constant true
      %select_n3A_74 = arith.constant 0 : i32
      %select_n3A_75 = arith.constant -1 : i32
      %select_n3A_76 = arith.select %select_n3A_73, %select_n3A_75, %select_n3A_74 : i32
      %eq3A_77 = arith.constant -1 : i32
      %eq3A_78 = arith.cmpi eq, %select_n3A_76, %eq3A_77 : i32
      %select_n3A_79 = arith.constant 0 : i32
      %select_n3A_80 = arith.select %eq3A_78, %select_n3A_79, %select_n3A_76 : i32
      %add3A_81 = arith.constant 0 : i32
      %add3A_82 = arith.addi %add3A_81, %mul3A_6 : i32
      %select_n3A_83 = arith.constant true
      %select_n3A_84 = arith.constant 0 : i32
      %select_n3A_85 = arith.constant 1 : i32
      %select_n3A_86 = arith.select %select_n3A_83, %select_n3A_85, %select_n3A_84 : i32
      %eq3A_87 = arith.constant 1 : i32
      %eq3A_88 = arith.cmpi eq, %select_n3A_86, %eq3A_87 : i32
      %select_n3A_89 = arith.constant 0 : i32
      %select_n3A_90 = arith.select %eq3A_88, %select_n3A_89, %select_n3A_86 : i32
      %add3A_91 = arith.constant 0 : i32
      %add3A_92 = arith.addi %add3A_91, %mul3A_6 : i32
      %select_n3A_93 = arith.constant true
      %select_n3A_94 = arith.constant 0 : i32
      %select_n3A_95 = arith.constant 1 : i32
      %select_n3A_96 = arith.select %select_n3A_93, %select_n3A_95, %select_n3A_94 : i32
      %eq3A_97 = arith.constant 1 : i32
      %eq3A_98 = arith.cmpi eq, %select_n3A_96, %eq3A_97 : i32
      %select_n3A_99 = arith.constant 0 : i32
      %select_n3A_100 = arith.select %eq3A_98, %select_n3A_99, %select_n3A_96 : i32
      %add3A_101 = arith.constant 0 : i32
      %add3A_102 = arith.addi %add3A_101, %mul3A_6 : i32
      %ne3A = arith.cmpi ne, %add3A_72, %add3A_92 : i32
      %or3A = arith.constant false
      %or3A_103 = arith.ori %or3A, %ne3A : i1
      %ge3A = arith.constant 0 : i32
      %ge3A_104 = arith.cmpi sge, %scan3A_66, %ge3A : i32
      %not3A = arith.constant true
      %not3A_105 = arith.xori %ge3A_104, %not3A : i1
      %and3A = arith.andi %or3A_103, %not3A_105 : i1
      %convert_element_type3A = arith.extui %and3A : i1 to i32
      %cond3A = arith.constant 0 : i32
      %cond3A_106 = arith.cmpi ne, %convert_element_type3A, %cond3A : i32
      scf.if %cond3A_106 {
        "tpu.trace_start"() <{level = 10 : i32, message = "ep_copy_in"}> : () -> ()
        %rem3A_262 = arith.constant 2 : i32
        %rem3A_263 = arith.remui %select_n3A_62, %rem3A_262 : i32
        %mul3A_264 = arith.constant 128 : i32
        %mul3A_265 = arith.muli %mul3A_264, %add3A_92 : i32
        %dma_start3A_266 = arith.constant 0 : i32
        %dma_start3A_267 = arith.constant 0 : i32
        %dma_start3A_268 = tpu.memref_slice %run_scoped3A[%rem3A_263, %dma_start3A_266, %dma_start3A_267] : memref<2x8x128xf32, #tpu.memory_space<vmem>> -> memref<1x8x128xf32, #tpu.memory_space<vmem>>
        %dma_start3A_269 = tpu.memref_squeeze %dma_start3A_268 : memref<1x8x128xf32, #tpu.memory_space<vmem>> -> memref<8x128xf32, #tpu.memory_space<vmem>>
        %dma_start3A_270 = arith.constant 0 : i32
        %dma_start3A_271 = tpu.memref_slice %arg2[%dma_start3A_270, %mul3A_265] : memref<8x4096xf32, #tpu.memory_space<hbm>> -> memref<8x128xf32, #tpu.memory_space<hbm>>
        %dma_start3A_272 = tpu.memref_slice %run_scoped3A_7[%rem3A_263] : memref<2x!tpu.dma_semaphore, #tpu.memory_space<semaphore_mem>> -> memref<1x!tpu.dma_semaphore, #tpu.memory_space<semaphore_mem>>
        %dma_start3A_273 = tpu.memref_squeeze %dma_start3A_272 : memref<1x!tpu.dma_semaphore, #tpu.memory_space<semaphore_mem>> -> memref<!tpu.dma_semaphore, #tpu.memory_space<semaphore_mem>>
        %dma_start3A_274 = arith.constant 0 : i32
        %dma_start3A_275 = arith.constant 0 : i32
        %dma_start3A_276 = tpu.memref_slice %run_scoped3A[%rem3A_263, %dma_start3A_274, %dma_start3A_275] : memref<2x8x128xf32, #tpu.memory_space<vmem>> -> memref<1x8x128xf32, #tpu.memory_space<vmem>>
        %dma_start3A_277 = tpu.memref_squeeze %dma_start3A_276 : memref<1x8x128xf32, #tpu.memory_space<vmem>> -> memref<8x128xf32, #tpu.memory_space<vmem>>
        %dma_start3A_278 = arith.constant 0 : i32
        %dma_start3A_279 = tpu.memref_slice %arg2[%dma_start3A_278, %mul3A_265] : memref<8x4096xf32, #tpu.memory_space<hbm>> -> memref<8x128xf32, #tpu.memory_space<hbm>>
        tpu.enqueue_dma source(%dma_start3A_279 : memref<8x128xf32, #tpu.memory_space<hbm>>) target(%dma_start3A_277 : memref<8x128xf32, #tpu.memory_space<vmem>>) target_semaphore(%dma_start3A_273 : memref<!tpu.dma_semaphore, #tpu.memory_space<semaphore_mem>>)
        "tpu.trace_stop"() : () -> ()
      } else {
      }
      %and3A_107 = arith.constant true
      %and3A_108 = arith.andi %and3A, %and3A_107 : i1
      %add3A_109 = arith.constant 1 : i32
      %add3A_110 = arith.addi %select_n3A_62, %add3A_109 : i32
      %select_n3A_111 = arith.select %and3A_108, %add3A_110, %select_n3A_62 : i32
      %ne3A_112 = arith.cmpi ne, %add3A_72, %add3A_92 : i32
      %or3A_113 = arith.constant false
      %or3A_114 = arith.ori %or3A_113, %ne3A_112 : i1
      %ge3A_115 = arith.constant 0 : i32
      %ge3A_116 = arith.cmpi sge, %scan3A_66, %ge3A_115 : i32
      %not3A_117 = arith.constant true
      %not3A_118 = arith.xori %ge3A_116, %not3A_117 : i1
      %and3A_119 = arith.andi %or3A_114, %not3A_118 : i1
      %ne3A_120 = arith.cmpi ne, %add3A_72, %add3A_82 : i32
      %or3A_121 = arith.constant false
      %or3A_122 = arith.ori %or3A_121, %ne3A_120 : i1
      %or3A_123 = arith.ori %or3A_122, %eq3A_68 : i1
      %convert_element_type3A_124 = arith.extui %or3A_123 : i1 to i32
      %cond3A_125 = arith.constant 0 : i32
      %cond3A_126 = arith.cmpi ne, %convert_element_type3A_124, %cond3A_125 : i32
      scf.if %cond3A_126 {
        "tpu.trace_start"() <{level = 10 : i32, message = "ep_wait_in"}> : () -> ()
        %mul3A_262 = arith.constant 128 : i32
        %mul3A_263 = arith.muli %mul3A_262, %add3A_72 : i32
        %rem3A_264 = arith.constant 2 : i32
        %rem3A_265 = arith.remui %scan3A, %rem3A_264 : i32
        %dma_wait3A_266 = arith.constant 0 : i32
        %dma_wait3A_267 = arith.constant 0 : i32
        %dma_wait3A_268 = tpu.memref_slice %run_scoped3A[%rem3A_265, %dma_wait3A_266, %dma_wait3A_267] : memref<2x8x128xf32, #tpu.memory_space<vmem>> -> memref<1x8x128xf32, #tpu.memory_space<vmem>>
        %dma_wait3A_269 = tpu.memref_squeeze %dma_wait3A_268 : memref<1x8x128xf32, #tpu.memory_space<vmem>> -> memref<8x128xf32, #tpu.memory_space<vmem>>
        %dma_wait3A_270 = arith.constant 0 : i32
        %dma_wait3A_271 = tpu.memref_slice %arg2[%dma_wait3A_270, %mul3A_263] : memref<8x4096xf32, #tpu.memory_space<hbm>> -> memref<8x128xf32, #tpu.memory_space<hbm>>
        %dma_wait3A_272 = tpu.memref_slice %run_scoped3A_7[%rem3A_265] : memref<2x!tpu.dma_semaphore, #tpu.memory_space<semaphore_mem>> -> memref<1x!tpu.dma_semaphore, #tpu.memory_space<semaphore_mem>>
        %dma_wait3A_273 = tpu.memref_squeeze %dma_wait3A_272 : memref<1x!tpu.dma_semaphore, #tpu.memory_space<semaphore_mem>> -> memref<!tpu.dma_semaphore, #tpu.memory_space<semaphore_mem>>
        %dma_wait3A_274 = arith.constant 0 : i32
        %dma_wait3A_275 = arith.constant 0 : i32
        %dma_wait3A_276 = tpu.memref_slice %run_scoped3A[%rem3A_265, %dma_wait3A_274, %dma_wait3A_275] : memref<2x8x128xf32, #tpu.memory_space<vmem>> -> memref<1x8x128xf32, #tpu.memory_space<vmem>>
        %dma_wait3A_277 = tpu.memref_squeeze %dma_wait3A_276 : memref<1x8x128xf32, #tpu.memory_space<vmem>> -> memref<8x128xf32, #tpu.memory_space<vmem>>
        %dma_wait3A_278 = arith.constant 0 : i32
        %dma_wait3A_279 = tpu.memref_slice %arg2[%dma_wait3A_278, %mul3A_263] : memref<8x4096xf32, #tpu.memory_space<hbm>> -> memref<8x128xf32, #tpu.memory_space<hbm>>
        tpu.wait_dma2 semaphore(%dma_wait3A_273 : memref<!tpu.dma_semaphore, #tpu.memory_space<semaphore_mem>>) src(%dma_wait3A_279 : memref<8x128xf32, #tpu.memory_space<hbm>>) dst(%dma_wait3A_277 : memref<8x128xf32, #tpu.memory_space<vmem>>)
        "tpu.trace_stop"() : () -> ()
      } else {
      }
      %ne3A_127 = arith.cmpi ne, %add3A_72, %add3A_82 : i32
      %or3A_128 = arith.constant false
      %or3A_129 = arith.ori %or3A_128, %ne3A_127 : i1
      %or3A_130 = arith.ori %or3A_129, %eq3A_68 : i1
      %convert_element_type3A_131 = arith.extui %or3A_130 : i1 to i32
      %cond3A_132 = arith.constant 0 : i32
      %cond3A_133 = arith.cmpi ne, %convert_element_type3A_131, %cond3A_132 : i32
      scf.if %cond3A_133 {
      } else {
      }
      %rem3A_134 = arith.constant 2 : i32
      %rem3A_135 = arith.remui %scan3A, %rem3A_134 : i32
      %rem3A_136 = arith.constant 2 : i32
      %rem3A_137 = arith.remui %scan3A_63, %rem3A_136 : i32
      "tpu.trace_start"() <{level = 10 : i32, message = "ep_run_kernel"}> : () -> ()
      %scan3A_138 = arith.constant 0 : i32
      %scan3A_139 = arith.constant 8 : i32
      %scan3A_140 = arith.addi %scan3A_138, %scan3A_139 : i32
      %scan3A_141 = arith.constant 1 : i32
      scf.for %scan3A_262 = %scan3A_138 to %scan3A_140 step %scan3A_141  : i32 {
        %mul3A_263 = arith.constant 16 : i32
        %mul3A_264 = arith.muli %scan3A_262, %mul3A_263 : i32
        %add3A_265 = arith.constant 0 : i32
        %add3A_266 = arith.addi %add3A_265, %mul3A_264 : i32
        %broadcast_in_dim3A = arith.constant 0xFF800000 : f32
        %broadcast_in_dim3A_267 = vector.broadcast %broadcast_in_dim3A : f32 to vector<1x16xf32>
        %broadcast_in_dim3A_268 = arith.constant 0xFF800000 : f32
        %broadcast_in_dim3A_269 = vector.broadcast %broadcast_in_dim3A_268 : f32 to vector<1x16xf32>
        %broadcast_in_dim3A_270 = arith.constant 0 : i32
        %broadcast_in_dim3A_271 = vector.broadcast %broadcast_in_dim3A_270 : i32 to vector<1x16xi32>
        %broadcast_in_dim3A_272 = arith.constant 0 : i32
        %broadcast_in_dim3A_273 = vector.broadcast %broadcast_in_dim3A_272 : i32 to vector<1x16xi32>
        %get3A = arith.constant 0 : i32
        %get3A_274 = arith.constant 0 : i32
        %get3A_275 = tpu.memref_slice %run_scoped3A[%rem3A_135, %get3A, %get3A_274] : memref<2x8x128xf32, #tpu.memory_space<vmem>> -> memref<1x8x128xf32, #tpu.memory_space<vmem>>
        %get3A_276 = tpu.memref_squeeze %get3A_275 : memref<1x8x128xf32, #tpu.memory_space<vmem>> -> memref<8x128xf32, #tpu.memory_space<vmem>>
        %get3A_277 = arith.constant 0 : index
        %get3A_278 = arith.index_cast %add3A_266 : i32 to index
        %get3A_279 = tpu.vector_load %get3A_276[%get3A_277, %get3A_278] {strides = array<i32>} : memref<8x128xf32, #tpu.memory_space<vmem>>, vector<1x16xf32>,
        %get3A_280 = vector.shape_cast %get3A_279 : vector<1x16xf32> to vector<1x16xf32>
        %gt3A = arith.cmpf ogt, %get3A_280, %broadcast_in_dim3A_267 : vector<1x16xf32>
        %gt3A_281 = arith.cmpf ogt, %get3A_280, %broadcast_in_dim3A_269 : vector<1x16xf32>
        %jit3A = arith.constant 0 : i32
        %broadcast_in_dim3A_282 = vector.broadcast %jit3A : i32 to vector<1x16xi32>
        %select_n3A_283 = arith.select %gt3A_281, %broadcast_in_dim3A_282, %broadcast_in_dim3A_273 : vector<1x16xi1>, vector<1x16xi32>
        %select_n3A_284 = arith.select %gt3A, %broadcast_in_dim3A_271, %select_n3A_283 : vector<1x16xi1>, vector<1x16xi32>
        %select_n3A_285 = arith.select %gt3A_281, %get3A_280, %broadcast_in_dim3A_269 : vector<1x16xi1>, vector<1x16xf32>
        %select_n3A_286 = arith.select %gt3A, %broadcast_in_dim3A_267, %select_n3A_285 : vector<1x16xi1>, vector<1x16xf32>
        %jit3A_287 = arith.constant 0 : i32
        %broadcast_in_dim3A_288 = vector.broadcast %jit3A_287 : i32 to vector<1x16xi32>
        %select_n3A_289 = arith.select %gt3A, %broadcast_in_dim3A_288, %broadcast_in_dim3A_271 : vector<1x16xi1>, vector<1x16xi32>
        %select_n3A_290 = arith.select %gt3A, %get3A_280, %broadcast_in_dim3A_267 : vector<1x16xi1>, vector<1x16xf32>
        %get3A_291 = arith.constant 0 : i32
        %get3A_292 = arith.constant 0 : i32
        %get3A_293 = tpu.memref_slice %run_scoped3A[%rem3A_135, %get3A_291, %get3A_292] : memref<2x8x128xf32, #tpu.memory_space<vmem>> -> memref<1x8x128xf32, #tpu.memory_space<vmem>>
        %get3A_294 = tpu.memref_squeeze %get3A_293 : memref<1x8x128xf32, #tpu.memory_space<vmem>> -> memref<8x128xf32, #tpu.memory_space<vmem>>
        %get3A_295 = arith.constant 1 : index
        %get3A_296 = arith.index_cast %add3A_266 : i32 to index
        %get3A_297 = tpu.vector_load %get3A_294[%get3A_295, %get3A_296] {strides = array<i32>} : memref<8x128xf32, #tpu.memory_space<vmem>>, vector<1x16xf32>,
        %get3A_298 = vector.shape_cast %get3A_297 : vector<1x16xf32> to vector<1x16xf32>
        %gt3A_299 = arith.cmpf ogt, %get3A_298, %select_n3A_290 : vector<1x16xf32>
        %gt3A_300 = arith.cmpf ogt, %get3A_298, %select_n3A_286 : vector<1x16xf32>
        %jit3A_301 = arith.constant 1 : i32
        %broadcast_in_dim3A_302 = vector.broadcast %jit3A_301 : i32 to vector<1x16xi32>
        %select_n3A_303 = arith.select %gt3A_300, %broadcast_in_dim3A_302, %select_n3A_284 : vector<1x16xi1>, vector<1x16xi32>
        %select_n3A_304 = arith.select %gt3A_299, %select_n3A_289, %select_n3A_303 : vector<1x16xi1>, vector<1x16xi32>
        %select_n3A_305 = arith.select %gt3A_300, %get3A_298, %select_n3A_286 : vector<1x16xi1>, vector<1x16xf32>
        %select_n3A_306 = arith.select %gt3A_299, %select_n3A_290, %select_n3A_305 : vector<1x16xi1>, vector<1x16xf32>
        %jit3A_307 = arith.constant 1 : i32
        %broadcast_in_dim3A_308 = vector.broadcast %jit3A_307 : i32 to vector<1x16xi32>
        %select_n3A_309 = arith.select %gt3A_299, %broadcast_in_dim3A_308, %select_n3A_289 : vector<1x16xi1>, vector<1x16xi32>
        %select_n3A_310 = arith.select %gt3A_299, %get3A_298, %select_n3A_290 : vector<1x16xi1>, vector<1x16xf32>
        %get3A_311 = arith.constant 0 : i32
        %get3A_312 = arith.constant 0 : i32
        %get3A_313 = tpu.memref_slice %run_scoped3A[%rem3A_135, %get3A_311, %get3A_312] : memref<2x8x128xf32, #tpu.memory_space<vmem>> -> memref<1x8x128xf32, #tpu.memory_space<vmem>>
        %get3A_314 = tpu.memref_squeeze %get3A_313 : memref<1x8x128xf32, #tpu.memory_space<vmem>> -> memref<8x128xf32, #tpu.memory_space<vmem>>
        %get3A_315 = arith.constant 2 : index
        %get3A_316 = arith.index_cast %add3A_266 : i32 to index
        %get3A_317 = tpu.vector_load %get3A_314[%get3A_315, %get3A_316] {strides = array<i32>} : memref<8x128xf32, #tpu.memory_space<vmem>>, vector<1x16xf32>,
        %get3A_318 = vector.shape_cast %get3A_317 : vector<1x16xf32> to vector<1x16xf32>
        %gt3A_319 = arith.cmpf ogt, %get3A_318, %select_n3A_310 : vector<1x16xf32>
        %gt3A_320 = arith.cmpf ogt, %get3A_318, %select_n3A_306 : vector<1x16xf32>
        %jit3A_321 = arith.constant 2 : i32
        %broadcast_in_dim3A_322 = vector.broadcast %jit3A_321 : i32 to vector<1x16xi32>
        %select_n3A_323 = arith.select %gt3A_320, %broadcast_in_dim3A_322, %select_n3A_304 : vector<1x16xi1>, vector<1x16xi32>
        %select_n3A_324 = arith.select %gt3A_319, %select_n3A_309, %select_n3A_323 : vector<1x16xi1>, vector<1x16xi32>
        %select_n3A_325 = arith.select %gt3A_320, %get3A_318, %select_n3A_306 : vector<1x16xi1>, vector<1x16xf32>
        %select_n3A_326 = arith.select %gt3A_319, %select_n3A_310, %select_n3A_325 : vector<1x16xi1>, vector<1x16xf32>
        %jit3A_327 = arith.constant 2 : i32
        %broadcast_in_dim3A_328 = vector.broadcast %jit3A_327 : i32 to vector<1x16xi32>
        %select_n3A_329 = arith.select %gt3A_319, %broadcast_in_dim3A_328, %select_n3A_309 : vector<1x16xi1>, vector<1x16xi32>
        %select_n3A_330 = arith.select %gt3A_319, %get3A_318, %select_n3A_310 : vector<1x16xi1>, vector<1x16xf32>
        %get3A_331 = arith.constant 0 : i32
        %get3A_332 = arith.constant 0 : i32
        %get3A_333 = tpu.memref_slice %run_scoped3A[%rem3A_135, %get3A_331, %get3A_332] : memref<2x8x128xf32, #tpu.memory_space<vmem>> -> memref<1x8x128xf32, #tpu.memory_space<vmem>>
        %get3A_334 = tpu.memref_squeeze %get3A_333 : memref<1x8x128xf32, #tpu.memory_space<vmem>> -> memref<8x128xf32, #tpu.memory_space<vmem>>
        %get3A_335 = arith.constant 3 : index
        %get3A_336 = arith.index_cast %add3A_266 : i32 to index
        %get3A_337 = tpu.vector_load %get3A_334[%get3A_335, %get3A_336] {strides = array<i32>} : memref<8x128xf32, #tpu.memory_space<vmem>>, vector<1x16xf32>,
        %get3A_338 = vector.shape_cast %get3A_337 : vector<1x16xf32> to vector<1x16xf32>
        %gt3A_339 = arith.cmpf ogt, %get3A_338, %select_n3A_330 : vector<1x16xf32>
        %gt3A_340 = arith.cmpf ogt, %get3A_338, %select_n3A_326 : vector<1x16xf32>
        %jit3A_341 = arith.constant 3 : i32
        %broadcast_in_dim3A_342 = vector.broadcast %jit3A_341 : i32 to vector<1x16xi32>
        %select_n3A_343 = arith.select %gt3A_340, %broadcast_in_dim3A_342, %select_n3A_324 : vector<1x16xi1>, vector<1x16xi32>
        %select_n3A_344 = arith.select %gt3A_339, %select_n3A_329, %select_n3A_343 : vector<1x16xi1>, vector<1x16xi32>
        %select_n3A_345 = arith.select %gt3A_340, %get3A_338, %select_n3A_326 : vector<1x16xi1>, vector<1x16xf32>
        %select_n3A_346 = arith.select %gt3A_339, %select_n3A_330, %select_n3A_345 : vector<1x16xi1>, vector<1x16xf32>
        %jit3A_347 = arith.constant 3 : i32
        %broadcast_in_dim3A_348 = vector.broadcast %jit3A_347 : i32 to vector<1x16xi32>
        %select_n3A_349 = arith.select %gt3A_339, %broadcast_in_dim3A_348, %select_n3A_329 : vector<1x16xi1>, vector<1x16xi32>
        %select_n3A_350 = arith.select %gt3A_339, %get3A_338, %select_n3A_330 : vector<1x16xi1>, vector<1x16xf32>
        %get3A_351 = arith.constant 0 : i32
        %get3A_352 = arith.constant 0 : i32
        %get3A_353 = tpu.memref_slice %run_scoped3A[%rem3A_135, %get3A_351, %get3A_352] : memref<2x8x128xf32, #tpu.memory_space<vmem>> -> memref<1x8x128xf32, #tpu.memory_space<vmem>>
        %get3A_354 = tpu.memref_squeeze %get3A_353 : memref<1x8x128xf32, #tpu.memory_space<vmem>> -> memref<8x128xf32, #tpu.memory_space<vmem>>
        %get3A_355 = arith.constant 4 : index
        %get3A_356 = arith.index_cast %add3A_266 : i32 to index
        %get3A_357 = tpu.vector_load %get3A_354[%get3A_355, %get3A_356] {strides = array<i32>} : memref<8x128xf32, #tpu.memory_space<vmem>>, vector<1x16xf32>,
        %get3A_358 = vector.shape_cast %get3A_357 : vector<1x16xf32> to vector<1x16xf32>
        %gt3A_359 = arith.cmpf ogt, %get3A_358, %select_n3A_350 : vector<1x16xf32>
        %gt3A_360 = arith.cmpf ogt, %get3A_358, %select_n3A_346 : vector<1x16xf32>
        %jit3A_361 = arith.constant 4 : i32
        %broadcast_in_dim3A_362 = vector.broadcast %jit3A_361 : i32 to vector<1x16xi32>
        %select_n3A_363 = arith.select %gt3A_360, %broadcast_in_dim3A_362, %select_n3A_344 : vector<1x16xi1>, vector<1x16xi32>
        %select_n3A_364 = arith.select %gt3A_359, %select_n3A_349, %select_n3A_363 : vector<1x16xi1>, vector<1x16xi32>
        %select_n3A_365 = arith.select %gt3A_360, %get3A_358, %select_n3A_346 : vector<1x16xi1>, vector<1x16xf32>
        %select_n3A_366 = arith.select %gt3A_359, %select_n3A_350, %select_n3A_365 : vector<1x16xi1>, vector<1x16xf32>
        %jit3A_367 = arith.constant 4 : i32
        %broadcast_in_dim3A_368 = vector.broadcast %jit3A_367 : i32 to vector<1x16xi32>
        %select_n3A_369 = arith.select %gt3A_359, %broadcast_in_dim3A_368, %select_n3A_349 : vector<1x16xi1>, vector<1x16xi32>
        %select_n3A_370 = arith.select %gt3A_359, %get3A_358, %select_n3A_350 : vector<1x16xi1>, vector<1x16xf32>
        %get3A_371 = arith.constant 0 : i32
        %get3A_372 = arith.constant 0 : i32
        %get3A_373 = tpu.memref_slice %run_scoped3A[%rem3A_135, %get3A_371, %get3A_372] : memref<2x8x128xf32, #tpu.memory_space<vmem>> -> memref<1x8x128xf32, #tpu.memory_space<vmem>>
        %get3A_374 = tpu.memref_squeeze %get3A_373 : memref<1x8x128xf32, #tpu.memory_space<vmem>> -> memref<8x128xf32, #tpu.memory_space<vmem>>
        %get3A_375 = arith.constant 5 : index
        %get3A_376 = arith.index_cast %add3A_266 : i32 to index
        %get3A_377 = tpu.vector_load %get3A_374[%get3A_375, %get3A_376] {strides = array<i32>} : memref<8x128xf32, #tpu.memory_space<vmem>>, vector<1x16xf32>,
        %get3A_378 = vector.shape_cast %get3A_377 : vector<1x16xf32> to vector<1x16xf32>
        %gt3A_379 = arith.cmpf ogt, %get3A_378, %select_n3A_370 : vector<1x16xf32>
        %gt3A_380 = arith.cmpf ogt, %get3A_378, %select_n3A_366 : vector<1x16xf32>
        %jit3A_381 = arith.constant 5 : i32
        %broadcast_in_dim3A_382 = vector.broadcast %jit3A_381 : i32 to vector<1x16xi32>
        %select_n3A_383 = arith.select %gt3A_380, %broadcast_in_dim3A_382, %select_n3A_364 : vector<1x16xi1>, vector<1x16xi32>
        %select_n3A_384 = arith.select %gt3A_379, %select_n3A_369, %select_n3A_383 : vector<1x16xi1>, vector<1x16xi32>
        %select_n3A_385 = arith.select %gt3A_380, %get3A_378, %select_n3A_366 : vector<1x16xi1>, vector<1x16xf32>
        %select_n3A_386 = arith.select %gt3A_379, %select_n3A_370, %select_n3A_385 : vector<1x16xi1>, vector<1x16xf32>
        %jit3A_387 = arith.constant 5 : i32
        %broadcast_in_dim3A_388 = vector.broadcast %jit3A_387 : i32 to vector<1x16xi32>
        %select_n3A_389 = arith.select %gt3A_379, %broadcast_in_dim3A_388, %select_n3A_369 : vector<1x16xi1>, vector<1x16xi32>
        %select_n3A_390 = arith.select %gt3A_379, %get3A_378, %select_n3A_370 : vector<1x16xi1>, vector<1x16xf32>
        %get3A_391 = arith.constant 0 : i32
        %get3A_392 = arith.constant 0 : i32
        %get3A_393 = tpu.memref_slice %run_scoped3A[%rem3A_135, %get3A_391, %get3A_392] : memref<2x8x128xf32, #tpu.memory_space<vmem>> -> memref<1x8x128xf32, #tpu.memory_space<vmem>>
        %get3A_394 = tpu.memref_squeeze %get3A_393 : memref<1x8x128xf32, #tpu.memory_space<vmem>> -> memref<8x128xf32, #tpu.memory_space<vmem>>
        %get3A_395 = arith.constant 6 : index
        %get3A_396 = arith.index_cast %add3A_266 : i32 to index
        %get3A_397 = tpu.vector_load %get3A_394[%get3A_395, %get3A_396] {strides = array<i32>} : memref<8x128xf32, #tpu.memory_space<vmem>>, vector<1x16xf32>,
        %get3A_398 = vector.shape_cast %get3A_397 : vector<1x16xf32> to vector<1x16xf32>
        %gt3A_399 = arith.cmpf ogt, %get3A_398, %select_n3A_390 : vector<1x16xf32>
        %gt3A_400 = arith.cmpf ogt, %get3A_398, %select_n3A_386 : vector<1x16xf32>
        %jit3A_401 = arith.constant 6 : i32
        %broadcast_in_dim3A_402 = vector.broadcast %jit3A_401 : i32 to vector<1x16xi32>
        %select_n3A_403 = arith.select %gt3A_400, %broadcast_in_dim3A_402, %select_n3A_384 : vector<1x16xi1>, vector<1x16xi32>
        %select_n3A_404 = arith.select %gt3A_399, %select_n3A_389, %select_n3A_403 : vector<1x16xi1>, vector<1x16xi32>
        %select_n3A_405 = arith.select %gt3A_400, %get3A_398, %select_n3A_386 : vector<1x16xi1>, vector<1x16xf32>
        %select_n3A_406 = arith.select %gt3A_399, %select_n3A_390, %select_n3A_405 : vector<1x16xi1>, vector<1x16xf32>
        %jit3A_407 = arith.constant 6 : i32
        %broadcast_in_dim3A_408 = vector.broadcast %jit3A_407 : i32 to vector<1x16xi32>
        %select_n3A_409 = arith.select %gt3A_399, %broadcast_in_dim3A_408, %select_n3A_389 : vector<1x16xi1>, vector<1x16xi32>
        %select_n3A_410 = arith.select %gt3A_399, %get3A_398, %select_n3A_390 : vector<1x16xi1>, vector<1x16xf32>
        %get3A_411 = arith.constant 0 : i32
        %get3A_412 = arith.constant 0 : i32
        %get3A_413 = tpu.memref_slice %run_scoped3A[%rem3A_135, %get3A_411, %get3A_412] : memref<2x8x128xf32, #tpu.memory_space<vmem>> -> memref<1x8x128xf32, #tpu.memory_space<vmem>>
        %get3A_414 = tpu.memref_squeeze %get3A_413 : memref<1x8x128xf32, #tpu.memory_space<vmem>> -> memref<8x128xf32, #tpu.memory_space<vmem>>
        %get3A_415 = arith.constant 7 : index
        %get3A_416 = arith.index_cast %add3A_266 : i32 to index
        %get3A_417 = tpu.vector_load %get3A_414[%get3A_415, %get3A_416] {strides = array<i32>} : memref<8x128xf32, #tpu.memory_space<vmem>>, vector<1x16xf32>,
        %get3A_418 = vector.shape_cast %get3A_417 : vector<1x16xf32> to vector<1x16xf32>
        %gt3A_419 = arith.cmpf ogt, %get3A_418, %select_n3A_410 : vector<1x16xf32>
        %gt3A_420 = arith.cmpf ogt, %get3A_418, %select_n3A_406 : vector<1x16xf32>
        %jit3A_421 = arith.constant 7 : i32
        %broadcast_in_dim3A_422 = vector.broadcast %jit3A_421 : i32 to vector<1x16xi32>
        %select_n3A_423 = arith.select %gt3A_420, %broadcast_in_dim3A_422, %select_n3A_404 : vector<1x16xi1>, vector<1x16xi32>
        %select_n3A_424 = arith.select %gt3A_419, %select_n3A_409, %select_n3A_423 : vector<1x16xi1>, vector<1x16xi32>
        %select_n3A_425 = arith.select %gt3A_420, %get3A_418, %select_n3A_406 : vector<1x16xi1>, vector<1x16xf32>
        %select_n3A_426 = arith.select %gt3A_419, %select_n3A_410, %select_n3A_425 : vector<1x16xi1>, vector<1x16xf32>
        %jit3A_427 = arith.constant 7 : i32
        %broadcast_in_dim3A_428 = vector.broadcast %jit3A_427 : i32 to vector<1x16xi32>
        %select_n3A_429 = arith.select %gt3A_419, %broadcast_in_dim3A_428, %select_n3A_409 : vector<1x16xi1>, vector<1x16xi32>
        %select_n3A_430 = arith.select %gt3A_419, %get3A_418, %select_n3A_410 : vector<1x16xi1>, vector<1x16xf32>
        %eq3A_431 = arith.constant 0 : i32
        %eq3A_432 = vector.broadcast %eq3A_431 : i32 to vector<1x16xi32>
        %eq3A_433 = arith.cmpi eq, %select_n3A_429, %eq3A_432 : vector<1x16xi32>
        %jit3A_434 = arith.constant 0.000000e+00 : f32
        %broadcast_in_dim3A_435 = vector.broadcast %jit3A_434 : f32 to vector<1x16xf32>
        %select_n3A_436 = arith.select %eq3A_433, %select_n3A_430, %broadcast_in_dim3A_435 : vector<1x16xi1>, vector<1x16xf32>
        %eq3A_437 = arith.constant 0 : i32
        %eq3A_438 = vector.broadcast %eq3A_437 : i32 to vector<1x16xi32>
        %eq3A_439 = arith.cmpi eq, %select_n3A_424, %eq3A_438 : vector<1x16xi32>
        %jit3A_440 = arith.constant 0.000000e+00 : f32
        %broadcast_in_dim3A_441 = vector.broadcast %jit3A_440 : f32 to vector<1x16xf32>
        %select_n3A_442 = arith.select %eq3A_439, %select_n3A_426, %broadcast_in_dim3A_441 : vector<1x16xi1>, vector<1x16xf32>
        %add3A_443 = arith.addf %select_n3A_436, %select_n3A_442 : vector<1x16xf32>
        %swap3A = arith.constant 0 : i32
        %swap3A_444 = arith.constant 0 : i32
        %swap3A_445 = tpu.memref_slice %run_scoped3A_8[%rem3A_137, %swap3A, %swap3A_444] : memref<2x8x128xf32, #tpu.memory_space<vmem>> -> memref<1x8x128xf32, #tpu.memory_space<vmem>>
        %swap3A_446 = tpu.memref_squeeze %swap3A_445 : memref<1x8x128xf32, #tpu.memory_space<vmem>> -> memref<8x128xf32, #tpu.memory_space<vmem>>
        %swap3A_447 = arith.constant 0 : index
        %swap3A_448 = arith.index_cast %add3A_266 : i32 to index
        %swap3A_449 = tpu.vector_load %swap3A_446[%swap3A_447, %swap3A_448] {strides = array<i32>} : memref<8x128xf32, #tpu.memory_space<vmem>>, vector<1x16xf32>,
        %swap3A_450 = vector.shape_cast %swap3A_449 : vector<1x16xf32> to vector<1x16xf32>
        %swap3A_451 = vector.shape_cast %add3A_443 : vector<1x16xf32> to vector<1x16xf32>
        tpu.vector_store %swap3A_446[%swap3A_447, %swap3A_448], %swap3A_451 {strides = array<i32>} : memref<8x128xf32, #tpu.memory_space<vmem>>, vector<1x16xf32>,
        %eq3A_452 = arith.constant 1 : i32
        %eq3A_453 = vector.broadcast %eq3A_452 : i32 to vector<1x16xi32>
        %eq3A_454 = arith.cmpi eq, %select_n3A_429, %eq3A_453 : vector<1x16xi32>
        %jit3A_455 = arith.constant 0.000000e+00 : f32
        %broadcast_in_dim3A_456 = vector.broadcast %jit3A_455 : f32 to vector<1x16xf32>
        %select_n3A_457 = arith.select %eq3A_454, %select_n3A_430, %broadcast_in_dim3A_456 : vector<1x16xi1>, vector<1x16xf32>
        %eq3A_458 = arith.constant 1 : i32
        %eq3A_459 = vector.broadcast %eq3A_458 : i32 to vector<1x16xi32>
        %eq3A_460 = arith.cmpi eq, %select_n3A_424, %eq3A_459 : vector<1x16xi32>
        %jit3A_461 = arith.constant 0.000000e+00 : f32
        %broadcast_in_dim3A_462 = vector.broadcast %jit3A_461 : f32 to vector<1x16xf32>
        %select_n3A_463 = arith.select %eq3A_460, %select_n3A_426, %broadcast_in_dim3A_462 : vector<1x16xi1>, vector<1x16xf32>
        %add3A_464 = arith.addf %select_n3A_457, %select_n3A_463 : vector<1x16xf32>
        %swap3A_465 = arith.constant 0 : i32
        %swap3A_466 = arith.constant 0 : i32
        %swap3A_467 = tpu.memref_slice %run_scoped3A_8[%rem3A_137, %swap3A_465, %swap3A_466] : memref<2x8x128xf32, #tpu.memory_space<vmem>> -> memref<1x8x128xf32, #tpu.memory_space<vmem>>
        %swap3A_468 = tpu.memref_squeeze %swap3A_467 : memref<1x8x128xf32, #tpu.memory_space<vmem>> -> memref<8x128xf32, #tpu.memory_space<vmem>>
        %swap3A_469 = arith.constant 1 : index
        %swap3A_470 = arith.index_cast %add3A_266 : i32 to index
        %swap3A_471 = tpu.vector_load %swap3A_468[%swap3A_469, %swap3A_470] {strides = array<i32>} : memref<8x128xf32, #tpu.memory_space<vmem>>, vector<1x16xf32>,
        %swap3A_472 = vector.shape_cast %swap3A_471 : vector<1x16xf32> to vector<1x16xf32>
        %swap3A_473 = vector.shape_cast %add3A_464 : vector<1x16xf32> to vector<1x16xf32>
        tpu.vector_store %swap3A_468[%swap3A_469, %swap3A_470], %swap3A_473 {strides = array<i32>} : memref<8x128xf32, #tpu.memory_space<vmem>>, vector<1x16xf32>,
        %eq3A_474 = arith.constant 2 : i32
        %eq3A_475 = vector.broadcast %eq3A_474 : i32 to vector<1x16xi32>
        %eq3A_476 = arith.cmpi eq, %select_n3A_429, %eq3A_475 : vector<1x16xi32>
        %jit3A_477 = arith.constant 0.000000e+00 : f32
        %broadcast_in_dim3A_478 = vector.broadcast %jit3A_477 : f32 to vector<1x16xf32>
        %select_n3A_479 = arith.select %eq3A_476, %select_n3A_430, %broadcast_in_dim3A_478 : vector<1x16xi1>, vector<1x16xf32>
        %eq3A_480 = arith.constant 2 : i32
        %eq3A_481 = vector.broadcast %eq3A_480 : i32 to vector<1x16xi32>
        %eq3A_482 = arith.cmpi eq, %select_n3A_424, %eq3A_481 : vector<1x16xi32>
        %jit3A_483 = arith.constant 0.000000e+00 : f32
        %broadcast_in_dim3A_484 = vector.broadcast %jit3A_483 : f32 to vector<1x16xf32>
        %select_n3A_485 = arith.select %eq3A_482, %select_n3A_426, %broadcast_in_dim3A_484 : vector<1x16xi1>, vector<1x16xf32>
        %add3A_486 = arith.addf %select_n3A_479, %select_n3A_485 : vector<1x16xf32>
        %swap3A_487 = arith.constant 0 : i32
        %swap3A_488 = arith.constant 0 : i32
        %swap3A_489 = tpu.memref_slice %run_scoped3A_8[%rem3A_137, %swap3A_487, %swap3A_488] : memref<2x8x128xf32, #tpu.memory_space<vmem>> -> memref<1x8x128xf32, #tpu.memory_space<vmem>>
        %swap3A_490 = tpu.memref_squeeze %swap3A_489 : memref<1x8x128xf32, #tpu.memory_space<vmem>> -> memref<8x128xf32, #tpu.memory_space<vmem>>
        %swap3A_491 = arith.constant 2 : index
        %swap3A_492 = arith.index_cast %add3A_266 : i32 to index
        %swap3A_493 = tpu.vector_load %swap3A_490[%swap3A_491, %swap3A_492] {strides = array<i32>} : memref<8x128xf32, #tpu.memory_space<vmem>>, vector<1x16xf32>,
        %swap3A_494 = vector.shape_cast %swap3A_493 : vector<1x16xf32> to vector<1x16xf32>
        %swap3A_495 = vector.shape_cast %add3A_486 : vector<1x16xf32> to vector<1x16xf32>
        tpu.vector_store %swap3A_490[%swap3A_491, %swap3A_492], %swap3A_495 {strides = array<i32>} : memref<8x128xf32, #tpu.memory_space<vmem>>, vector<1x16xf32>,
        %eq3A_496 = arith.constant 3 : i32
        %eq3A_497 = vector.broadcast %eq3A_496 : i32 to vector<1x16xi32>
        %eq3A_498 = arith.cmpi eq, %select_n3A_429, %eq3A_497 : vector<1x16xi32>
        %jit3A_499 = arith.constant 0.000000e+00 : f32
        %broadcast_in_dim3A_500 = vector.broadcast %jit3A_499 : f32 to vector<1x16xf32>
        %select_n3A_501 = arith.select %eq3A_498, %select_n3A_430, %broadcast_in_dim3A_500 : vector<1x16xi1>, vector<1x16xf32>
        %eq3A_502 = arith.constant 3 : i32
        %eq3A_503 = vector.broadcast %eq3A_502 : i32 to vector<1x16xi32>
        %eq3A_504 = arith.cmpi eq, %select_n3A_424, %eq3A_503 : vector<1x16xi32>
        %jit3A_505 = arith.constant 0.000000e+00 : f32
        %broadcast_in_dim3A_506 = vector.broadcast %jit3A_505 : f32 to vector<1x16xf32>
        %select_n3A_507 = arith.select %eq3A_504, %select_n3A_426, %broadcast_in_dim3A_506 : vector<1x16xi1>, vector<1x16xf32>
        %add3A_508 = arith.addf %select_n3A_501, %select_n3A_507 : vector<1x16xf32>
        %swap3A_509 = arith.constant 0 : i32
        %swap3A_510 = arith.constant 0 : i32
        %swap3A_511 = tpu.memref_slice %run_scoped3A_8[%rem3A_137, %swap3A_509, %swap3A_510] : memref<2x8x128xf32, #tpu.memory_space<vmem>> -> memref<1x8x128xf32, #tpu.memory_space<vmem>>
        %swap3A_512 = tpu.memref_squeeze %swap3A_511 : memref<1x8x128xf32, #tpu.memory_space<vmem>> -> memref<8x128xf32, #tpu.memory_space<vmem>>
        %swap3A_513 = arith.constant 3 : index
        %swap3A_514 = arith.index_cast %add3A_266 : i32 to index
        %swap3A_515 = tpu.vector_load %swap3A_512[%swap3A_513, %swap3A_514] {strides = array<i32>} : memref<8x128xf32, #tpu.memory_space<vmem>>, vector<1x16xf32>,
        %swap3A_516 = vector.shape_cast %swap3A_515 : vector<1x16xf32> to vector<1x16xf32>
        %swap3A_517 = vector.shape_cast %add3A_508 : vector<1x16xf32> to vector<1x16xf32>
        tpu.vector_store %swap3A_512[%swap3A_513, %swap3A_514], %swap3A_517 {strides = array<i32>} : memref<8x128xf32, #tpu.memory_space<vmem>>, vector<1x16xf32>,
        %eq3A_518 = arith.constant 4 : i32
        %eq3A_519 = vector.broadcast %eq3A_518 : i32 to vector<1x16xi32>
        %eq3A_520 = arith.cmpi eq, %select_n3A_429, %eq3A_519 : vector<1x16xi32>
        %jit3A_521 = arith.constant 0.000000e+00 : f32
        %broadcast_in_dim3A_522 = vector.broadcast %jit3A_521 : f32 to vector<1x16xf32>
        %select_n3A_523 = arith.select %eq3A_520, %select_n3A_430, %broadcast_in_dim3A_522 : vector<1x16xi1>, vector<1x16xf32>
        %eq3A_524 = arith.constant 4 : i32
        %eq3A_525 = vector.broadcast %eq3A_524 : i32 to vector<1x16xi32>
        %eq3A_526 = arith.cmpi eq, %select_n3A_424, %eq3A_525 : vector<1x16xi32>
        %jit3A_527 = arith.constant 0.000000e+00 : f32
        %broadcast_in_dim3A_528 = vector.broadcast %jit3A_527 : f32 to vector<1x16xf32>
        %select_n3A_529 = arith.select %eq3A_526, %select_n3A_426, %broadcast_in_dim3A_528 : vector<1x16xi1>, vector<1x16xf32>
        %add3A_530 = arith.addf %select_n3A_523, %select_n3A_529 : vector<1x16xf32>
        %swap3A_531 = arith.constant 0 : i32
        %swap3A_532 = arith.constant 0 : i32
        %swap3A_533 = tpu.memref_slice %run_scoped3A_8[%rem3A_137, %swap3A_531, %swap3A_532] : memref<2x8x128xf32, #tpu.memory_space<vmem>> -> memref<1x8x128xf32, #tpu.memory_space<vmem>>
        %swap3A_534 = tpu.memref_squeeze %swap3A_533 : memref<1x8x128xf32, #tpu.memory_space<vmem>> -> memref<8x128xf32, #tpu.memory_space<vmem>>
        %swap3A_535 = arith.constant 4 : index
        %swap3A_536 = arith.index_cast %add3A_266 : i32 to index
        %swap3A_537 = tpu.vector_load %swap3A_534[%swap3A_535, %swap3A_536] {strides = array<i32>} : memref<8x128xf32, #tpu.memory_space<vmem>>, vector<1x16xf32>,
        %swap3A_538 = vector.shape_cast %swap3A_537 : vector<1x16xf32> to vector<1x16xf32>
        %swap3A_539 = vector.shape_cast %add3A_530 : vector<1x16xf32> to vector<1x16xf32>
        tpu.vector_store %swap3A_534[%swap3A_535, %swap3A_536], %swap3A_539 {strides = array<i32>} : memref<8x128xf32, #tpu.memory_space<vmem>>, vector<1x16xf32>,
        %eq3A_540 = arith.constant 5 : i32
        %eq3A_541 = vector.broadcast %eq3A_540 : i32 to vector<1x16xi32>
        %eq3A_542 = arith.cmpi eq, %select_n3A_429, %eq3A_541 : vector<1x16xi32>
        %jit3A_543 = arith.constant 0.000000e+00 : f32
        %broadcast_in_dim3A_544 = vector.broadcast %jit3A_543 : f32 to vector<1x16xf32>
        %select_n3A_545 = arith.select %eq3A_542, %select_n3A_430, %broadcast_in_dim3A_544 : vector<1x16xi1>, vector<1x16xf32>
        %eq3A_546 = arith.constant 5 : i32
        %eq3A_547 = vector.broadcast %eq3A_546 : i32 to vector<1x16xi32>
        %eq3A_548 = arith.cmpi eq, %select_n3A_424, %eq3A_547 : vector<1x16xi32>
        %jit3A_549 = arith.constant 0.000000e+00 : f32
        %broadcast_in_dim3A_550 = vector.broadcast %jit3A_549 : f32 to vector<1x16xf32>
        %select_n3A_551 = arith.select %eq3A_548, %select_n3A_426, %broadcast_in_dim3A_550 : vector<1x16xi1>, vector<1x16xf32>
        %add3A_552 = arith.addf %select_n3A_545, %select_n3A_551 : vector<1x16xf32>
        %swap3A_553 = arith.constant 0 : i32
        %swap3A_554 = arith.constant 0 : i32
        %swap3A_555 = tpu.memref_slice %run_scoped3A_8[%rem3A_137, %swap3A_553, %swap3A_554] : memref<2x8x128xf32, #tpu.memory_space<vmem>> -> memref<1x8x128xf32, #tpu.memory_space<vmem>>
        %swap3A_556 = tpu.memref_squeeze %swap3A_555 : memref<1x8x128xf32, #tpu.memory_space<vmem>> -> memref<8x128xf32, #tpu.memory_space<vmem>>
        %swap3A_557 = arith.constant 5 : index
        %swap3A_558 = arith.index_cast %add3A_266 : i32 to index
        %swap3A_559 = tpu.vector_load %swap3A_556[%swap3A_557, %swap3A_558] {strides = array<i32>} : memref<8x128xf32, #tpu.memory_space<vmem>>, vector<1x16xf32>,
        %swap3A_560 = vector.shape_cast %swap3A_559 : vector<1x16xf32> to vector<1x16xf32>
        %swap3A_561 = vector.shape_cast %add3A_552 : vector<1x16xf32> to vector<1x16xf32>
        tpu.vector_store %swap3A_556[%swap3A_557, %swap3A_558], %swap3A_561 {strides = array<i32>} : memref<8x128xf32, #tpu.memory_space<vmem>>, vector<1x16xf32>,
        %eq3A_562 = arith.constant 6 : i32
        %eq3A_563 = vector.broadcast %eq3A_562 : i32 to vector<1x16xi32>
        %eq3A_564 = arith.cmpi eq, %select_n3A_429, %eq3A_563 : vector<1x16xi32>
        %jit3A_565 = arith.constant 0.000000e+00 : f32
        %broadcast_in_dim3A_566 = vector.broadcast %jit3A_565 : f32 to vector<1x16xf32>
        %select_n3A_567 = arith.select %eq3A_564, %select_n3A_430, %broadcast_in_dim3A_566 : vector<1x16xi1>, vector<1x16xf32>
        %eq3A_568 = arith.constant 6 : i32
        %eq3A_569 = vector.broadcast %eq3A_568 : i32 to vector<1x16xi32>
        %eq3A_570 = arith.cmpi eq, %select_n3A_424, %eq3A_569 : vector<1x16xi32>
        %jit3A_571 = arith.constant 0.000000e+00 : f32
        %broadcast_in_dim3A_572 = vector.broadcast %jit3A_571 : f32 to vector<1x16xf32>
        %select_n3A_573 = arith.select %eq3A_570, %select_n3A_426, %broadcast_in_dim3A_572 : vector<1x16xi1>, vector<1x16xf32>
        %add3A_574 = arith.addf %select_n3A_567, %select_n3A_573 : vector<1x16xf32>
        %swap3A_575 = arith.constant 0 : i32
        %swap3A_576 = arith.constant 0 : i32
        %swap3A_577 = tpu.memref_slice %run_scoped3A_8[%rem3A_137, %swap3A_575, %swap3A_576] : memref<2x8x128xf32, #tpu.memory_space<vmem>> -> memref<1x8x128xf32, #tpu.memory_space<vmem>>
        %swap3A_578 = tpu.memref_squeeze %swap3A_577 : memref<1x8x128xf32, #tpu.memory_space<vmem>> -> memref<8x128xf32, #tpu.memory_space<vmem>>
        %swap3A_579 = arith.constant 6 : index
        %swap3A_580 = arith.index_cast %add3A_266 : i32 to index
        %swap3A_581 = tpu.vector_load %swap3A_578[%swap3A_579, %swap3A_580] {strides = array<i32>} : memref<8x128xf32, #tpu.memory_space<vmem>>, vector<1x16xf32>,
        %swap3A_582 = vector.shape_cast %swap3A_581 : vector<1x16xf32> to vector<1x16xf32>
        %swap3A_583 = vector.shape_cast %add3A_574 : vector<1x16xf32> to vector<1x16xf32>
        tpu.vector_store %swap3A_578[%swap3A_579, %swap3A_580], %swap3A_583 {strides = array<i32>} : memref<8x128xf32, #tpu.memory_space<vmem>>, vector<1x16xf32>,
        %eq3A_584 = arith.constant 7 : i32
        %eq3A_585 = vector.broadcast %eq3A_584 : i32 to vector<1x16xi32>
        %eq3A_586 = arith.cmpi eq, %select_n3A_429, %eq3A_585 : vector<1x16xi32>
        %jit3A_587 = arith.constant 0.000000e+00 : f32
        %broadcast_in_dim3A_588 = vector.broadcast %jit3A_587 : f32 to vector<1x16xf32>
        %select_n3A_589 = arith.select %eq3A_586, %select_n3A_430, %broadcast_in_dim3A_588 : vector<1x16xi1>, vector<1x16xf32>
        %eq3A_590 = arith.constant 7 : i32
        %eq3A_591 = vector.broadcast %eq3A_590 : i32 to vector<1x16xi32>
        %eq3A_592 = arith.cmpi eq, %select_n3A_424, %eq3A_591 : vector<1x16xi32>
        %jit3A_593 = arith.constant 0.000000e+00 : f32
        %broadcast_in_dim3A_594 = vector.broadcast %jit3A_593 : f32 to vector<1x16xf32>
        %select_n3A_595 = arith.select %eq3A_592, %select_n3A_426, %broadcast_in_dim3A_594 : vector<1x16xi1>, vector<1x16xf32>
        %add3A_596 = arith.addf %select_n3A_589, %select_n3A_595 : vector<1x16xf32>
        %swap3A_597 = arith.constant 0 : i32
        %swap3A_598 = arith.constant 0 : i32
        %swap3A_599 = tpu.memref_slice %run_scoped3A_8[%rem3A_137, %swap3A_597, %swap3A_598] : memref<2x8x128xf32, #tpu.memory_space<vmem>> -> memref<1x8x128xf32, #tpu.memory_space<vmem>>
        %swap3A_600 = tpu.memref_squeeze %swap3A_599 : memref<1x8x128xf32, #tpu.memory_space<vmem>> -> memref<8x128xf32, #tpu.memory_space<vmem>>
        %swap3A_601 = arith.constant 7 : index
        %swap3A_602 = arith.index_cast %add3A_266 : i32 to index
        %swap3A_603 = tpu.vector_load %swap3A_600[%swap3A_601, %swap3A_602] {strides = array<i32>} : memref<8x128xf32, #tpu.memory_space<vmem>>, vector<1x16xf32>,
        %swap3A_604 = vector.shape_cast %swap3A_603 : vector<1x16xf32> to vector<1x16xf32>
        %swap3A_605 = vector.shape_cast %add3A_596 : vector<1x16xf32> to vector<1x16xf32>
        tpu.vector_store %swap3A_600[%swap3A_601, %swap3A_602], %swap3A_605 {strides = array<i32>} : memref<8x128xf32, #tpu.memory_space<vmem>>, vector<1x16xf32>,
      }
      %scan3A_142 = arith.constant 8 : i32
      "tpu.trace_stop"() : () -> ()
      %ne3A_143 = arith.cmpi ne, %add3A_72, %add3A_92 : i32
      %or3A_144 = arith.constant false
      %or3A_145 = arith.ori %or3A_144, %ne3A_143 : i1
      %or3A_146 = arith.ori %or3A_145, %eq3A_70 : i1
      %convert_element_type3A_147 = arith.extui %or3A_146 : i1 to i32
      %cond3A_148 = arith.constant 0 : i32
      %cond3A_149 = arith.cmpi ne, %convert_element_type3A_147, %cond3A_148 : i32
      scf.if %cond3A_149 {
      } else {
      }
      %and3A_150 = arith.constant false
      %and3A_151 = arith.andi %or3A_146, %and3A_150 : i1
      %ne3A_152 = arith.cmpi ne, %add3A_72, %add3A_92 : i32
      %or3A_153 = arith.constant false
      %or3A_154 = arith.ori %or3A_153, %ne3A_152 : i1
      %or3A_155 = arith.ori %or3A_154, %eq3A_70 : i1
      %convert_element_type3A_156 = arith.extui %or3A_155 : i1 to i32
      %cond3A_157 = arith.constant 0 : i32
      %cond3A_158 = arith.cmpi ne, %convert_element_type3A_156, %cond3A_157 : i32
      scf.if %cond3A_158 {
        "tpu.trace_start"() <{level = 10 : i32, message = "ep_copy_out"}> : () -> ()
        %rem3A_262 = arith.constant 2 : i32
        %rem3A_263 = arith.remui %scan3A_63, %rem3A_262 : i32
        %mul3A_264 = arith.constant 128 : i32
        %mul3A_265 = arith.muli %mul3A_264, %add3A_72 : i32
        %dma_start3A_266 = arith.constant 0 : i32
        %dma_start3A_267 = arith.constant 0 : i32
        %dma_start3A_268 = tpu.memref_slice %run_scoped3A_8[%rem3A_263, %dma_start3A_266, %dma_start3A_267] : memref<2x8x128xf32, #tpu.memory_space<vmem>> -> memref<1x8x128xf32, #tpu.memory_space<vmem>>
        %dma_start3A_269 = tpu.memref_squeeze %dma_start3A_268 : memref<1x8x128xf32, #tpu.memory_space<vmem>> -> memref<8x128xf32, #tpu.memory_space<vmem>>
        %dma_start3A_270 = arith.constant 0 : i32
        %dma_start3A_271 = tpu.memref_slice %arg3[%dma_start3A_270, %mul3A_265] : memref<8x4096xf32, #tpu.memory_space<hbm>> -> memref<8x128xf32, #tpu.memory_space<hbm>>
        %dma_start3A_272 = tpu.memref_slice %run_scoped3A_9[%rem3A_263] : memref<2x!tpu.dma_semaphore, #tpu.memory_space<semaphore_mem>> -> memref<1x!tpu.dma_semaphore, #tpu.memory_space<semaphore_mem>>
        %dma_start3A_273 = tpu.memref_squeeze %dma_start3A_272 : memref<1x!tpu.dma_semaphore, #tpu.memory_space<semaphore_mem>> -> memref<!tpu.dma_semaphore, #tpu.memory_space<semaphore_mem>>
        %dma_start3A_274 = arith.constant 0 : i32
        %dma_start3A_275 = tpu.memref_slice %arg3[%dma_start3A_274, %mul3A_265] : memref<8x4096xf32, #tpu.memory_space<hbm>> -> memref<8x128xf32, #tpu.memory_space<hbm>>
        %dma_start3A_276 = arith.constant 0 : i32
        %dma_start3A_277 = arith.constant 0 : i32
        %dma_start3A_278 = tpu.memref_slice %run_scoped3A_8[%rem3A_263, %dma_start3A_276, %dma_start3A_277] : memref<2x8x128xf32, #tpu.memory_space<vmem>> -> memref<1x8x128xf32, #tpu.memory_space<vmem>>
        %dma_start3A_279 = tpu.memref_squeeze %dma_start3A_278 : memref<1x8x128xf32, #tpu.memory_space<vmem>> -> memref<8x128xf32, #tpu.memory_space<vmem>>
        tpu.enqueue_dma source(%dma_start3A_279 : memref<8x128xf32, #tpu.memory_space<vmem>>) target(%dma_start3A_275 : memref<8x128xf32, #tpu.memory_space<hbm>>) target_semaphore(%dma_start3A_273 : memref<!tpu.dma_semaphore, #tpu.memory_space<semaphore_mem>>)
        "tpu.trace_stop"() : () -> ()
      } else {
      }
      %and3A_159 = arith.constant true
      %and3A_160 = arith.andi %or3A_155, %and3A_159 : i1
      %add3A_161 = arith.constant 1 : i32
      %add3A_162 = arith.addi %scan3A_63, %add3A_161 : i32
      %select_n3A_163 = arith.select %and3A_160, %add3A_162, %scan3A_63 : i32
      %ne3A_164 = arith.cmpi ne, %add3A_72, %add3A_82 : i32
      %or3A_165 = arith.constant false
      %or3A_166 = arith.ori %or3A_165, %ne3A_164 : i1
      %not3A_167 = arith.constant true
      %not3A_168 = arith.xori %eq3A_68, %not3A_167 : i1
      %and3A_169 = arith.andi %or3A_166, %not3A_168 : i1
      %convert_element_type3A_170 = arith.extui %and3A_169 : i1 to i32
      %cond3A_171 = arith.constant 0 : i32
      %cond3A_172 = arith.cmpi ne, %convert_element_type3A_170, %cond3A_171 : i32
      scf.if %cond3A_172 {
      } else {
      }
      %and3A_173 = arith.constant false
      %and3A_174 = arith.andi %and3A_169, %and3A_173 : i1
      %ne3A_175 = arith.cmpi ne, %add3A_72, %add3A_82 : i32
      %or3A_176 = arith.constant false
      %or3A_177 = arith.ori %or3A_176, %ne3A_175 : i1
      %not3A_178 = arith.constant true
      %not3A_179 = arith.xori %eq3A_68, %not3A_178 : i1
      %and3A_180 = arith.andi %or3A_177, %not3A_179 : i1
      %convert_element_type3A_181 = arith.extui %and3A_180 : i1 to i32
      %cond3A_182 = arith.constant 0 : i32
      %cond3A_183 = arith.cmpi ne, %convert_element_type3A_181, %cond3A_182 : i32
      scf.if %cond3A_183 {
        "tpu.trace_start"() <{level = 10 : i32, message = "ep_wait_out"}> : () -> ()
        %rem3A_262 = arith.constant 2 : i32
        %rem3A_263 = arith.remui %scan3A_64, %rem3A_262 : i32
        %mul3A_264 = arith.constant 128 : i32
        %mul3A_265 = arith.muli %mul3A_264, %add3A_82 : i32
        %dma_wait3A_266 = arith.constant 0 : i32
        %dma_wait3A_267 = arith.constant 0 : i32
        %dma_wait3A_268 = tpu.memref_slice %run_scoped3A_8[%rem3A_263, %dma_wait3A_266, %dma_wait3A_267] : memref<2x8x128xf32, #tpu.memory_space<vmem>> -> memref<1x8x128xf32, #tpu.memory_space<vmem>>
        %dma_wait3A_269 = tpu.memref_squeeze %dma_wait3A_268 : memref<1x8x128xf32, #tpu.memory_space<vmem>> -> memref<8x128xf32, #tpu.memory_space<vmem>>
        %dma_wait3A_270 = arith.constant 0 : i32
        %dma_wait3A_271 = tpu.memref_slice %arg3[%dma_wait3A_270, %mul3A_265] : memref<8x4096xf32, #tpu.memory_space<hbm>> -> memref<8x128xf32, #tpu.memory_space<hbm>>
        %dma_wait3A_272 = tpu.memref_slice %run_scoped3A_9[%rem3A_263] : memref<2x!tpu.dma_semaphore, #tpu.memory_space<semaphore_mem>> -> memref<1x!tpu.dma_semaphore, #tpu.memory_space<semaphore_mem>>
        %dma_wait3A_273 = tpu.memref_squeeze %dma_wait3A_272 : memref<1x!tpu.dma_semaphore, #tpu.memory_space<semaphore_mem>> -> memref<!tpu.dma_semaphore, #tpu.memory_space<semaphore_mem>>
        %dma_wait3A_274 = arith.constant 0 : i32
        %dma_wait3A_275 = tpu.memref_slice %arg3[%dma_wait3A_274, %mul3A_265] : memref<8x4096xf32, #tpu.memory_space<hbm>> -> memref<8x128xf32, #tpu.memory_space<hbm>>
        %dma_wait3A_276 = arith.constant 0 : i32
        %dma_wait3A_277 = arith.constant 0 : i32
        %dma_wait3A_278 = tpu.memref_slice %run_scoped3A_8[%rem3A_263, %dma_wait3A_276, %dma_wait3A_277] : memref<2x8x128xf32, #tpu.memory_space<vmem>> -> memref<1x8x128xf32, #tpu.memory_space<vmem>>
        %dma_wait3A_279 = tpu.memref_squeeze %dma_wait3A_278 : memref<1x8x128xf32, #tpu.memory_space<vmem>> -> memref<8x128xf32, #tpu.memory_space<vmem>>
        tpu.wait_dma2 semaphore(%dma_wait3A_273 : memref<!tpu.dma_semaphore, #tpu.memory_space<semaphore_mem>>) src(%dma_wait3A_279 : memref<8x128xf32, #tpu.memory_space<vmem>>) dst(%dma_wait3A_275 : memref<8x128xf32, #tpu.memory_space<hbm>>)
        "tpu.trace_stop"() : () -> ()
      } else {
      }
      %and3A_184 = arith.constant true
      %and3A_185 = arith.andi %and3A_180, %and3A_184 : i1
      %add3A_186 = arith.constant 1 : i32
      %add3A_187 = arith.addi %scan3A_64, %add3A_186 : i32
      %select_n3A_188 = arith.select %and3A_185, %add3A_187, %scan3A_64 : i32
      %ne3A_189 = arith.cmpi ne, %add3A_72, %add3A_92 : i32
      %or3A_190 = arith.constant false
      %or3A_191 = arith.ori %or3A_190, %ne3A_189 : i1
      %or3A_192 = arith.ori %or3A_191, %eq3A_70 : i1
      %add3A_193 = arith.constant 1 : i32
      %add3A_194 = arith.addi %scan3A, %add3A_193 : i32
      %select_n3A_195 = arith.select %or3A_192, %add3A_194, %scan3A : i32
      %select_n3A_196 = arith.constant true
      %select_n3A_197 = arith.constant 0 : i32
      %select_n3A_198 = arith.constant 1 : i32
      %select_n3A_199 = arith.select %select_n3A_196, %select_n3A_198, %select_n3A_197 : i32
      %eq3A_200 = arith.constant 1 : i32
      %eq3A_201 = arith.cmpi eq, %select_n3A_199, %eq3A_200 : i32
      %select_n3A_202 = arith.constant 0 : i32
      %select_n3A_203 = arith.select %eq3A_201, %select_n3A_202, %select_n3A_199 : i32
      %scan3A_204 = arith.constant 0 : i32
      %scan3A_205 = arith.constant 1 : i32
      %sub3A = arith.constant 1 : i32
      %sub3A_206 = arith.subi %scan3A_204, %sub3A : i32
      %select_n3A_207 = arith.constant true
      %select_n3A_208 = arith.select %select_n3A_207, %sub3A_206, %scan3A_204 : i32
      %eq3A_209 = arith.constant -1 : i32
      %eq3A_210 = arith.cmpi eq, %select_n3A_208, %eq3A_209 : i32
      %select_n3A_211 = arith.constant 0 : i32
      %select_n3A_212 = arith.select %eq3A_210, %select_n3A_211, %select_n3A_208 : i32
      %add3A_213 = arith.constant 0 : i32
      %add3A_214 = arith.addi %add3A_213, %mul3A_6 : i32
      %select_n3A_215 = arith.constant true
      %select_n3A_216 = arith.constant 0 : i32
      %select_n3A_217 = arith.constant -1 : i32
      %select_n3A_218 = arith.select %select_n3A_215, %select_n3A_217, %select_n3A_216 : i32
      %eq3A_219 = arith.constant -1 : i32
      %eq3A_220 = arith.cmpi eq, %select_n3A_218, %eq3A_219 : i32
      %select_n3A_221 = arith.constant 0 : i32
      %select_n3A_222 = arith.select %eq3A_220, %select_n3A_221, %select_n3A_218 : i32
      %add3A_223 = arith.constant 0 : i32
      %add3A_224 = arith.addi %add3A_223, %mul3A_6 : i32
      %select_n3A_225 = arith.constant true
      %select_n3A_226 = arith.constant 0 : i32
      %select_n3A_227 = arith.constant 1 : i32
      %select_n3A_228 = arith.select %select_n3A_225, %select_n3A_227, %select_n3A_226 : i32
      %eq3A_229 = arith.constant 1 : i32
      %eq3A_230 = arith.cmpi eq, %select_n3A_228, %eq3A_229 : i32
      %select_n3A_231 = arith.constant 0 : i32
      %select_n3A_232 = arith.select %eq3A_230, %select_n3A_231, %select_n3A_228 : i32
      %add3A_233 = arith.constant 0 : i32
      %add3A_234 = arith.addi %add3A_233, %mul3A_6 : i32
      %select_n3A_235 = arith.constant true
      %select_n3A_236 = arith.constant 0 : i32
      %select_n3A_237 = arith.constant 1 : i32
      %select_n3A_238 = arith.select %select_n3A_235, %select_n3A_237, %select_n3A_236 : i32
      %eq3A_239 = arith.constant 1 : i32
      %eq3A_240 = arith.cmpi eq, %select_n3A_238, %eq3A_239 : i32
      %select_n3A_241 = arith.constant 0 : i32
      %select_n3A_242 = arith.select %eq3A_240, %select_n3A_241, %select_n3A_238 : i32
      %add3A_243 = arith.constant 0 : i32
      %add3A_244 = arith.addi %add3A_243, %mul3A_6 : i32
      "tpu.trace_start"() <{level = 10 : i32, message = "ep_finalize"}> : () -> ()
      %rem3A_245 = arith.constant 2 : i32
      %rem3A_246 = arith.remui %select_n3A_188, %rem3A_245 : i32
      %mul3A_247 = arith.constant 128 : i32
      %mul3A_248 = arith.muli %mul3A_247, %add3A_214 : i32
      %dma_wait3A = arith.constant 0 : i32
      %dma_wait3A_249 = arith.constant 0 : i32
      %dma_wait3A_250 = tpu.memref_slice %run_scoped3A_8[%rem3A_246, %dma_wait3A, %dma_wait3A_249] : memref<2x8x128xf32, #tpu.memory_space<vmem>> -> memref<1x8x128xf32, #tpu.memory_space<vmem>>
      %dma_wait3A_251 = tpu.memref_squeeze %dma_wait3A_250 : memref<1x8x128xf32, #tpu.memory_space<vmem>> -> memref<8x128xf32, #tpu.memory_space<vmem>>
      %dma_wait3A_252 = arith.constant 0 : i32
      %dma_wait3A_253 = tpu.memref_slice %arg3[%dma_wait3A_252, %mul3A_248] : memref<8x4096xf32, #tpu.memory_space<hbm>> -> memref<8x128xf32, #tpu.memory_space<hbm>>
      %dma_wait3A_254 = tpu.memref_slice %run_scoped3A_9[%rem3A_246] : memref<2x!tpu.dma_semaphore, #tpu.memory_space<semaphore_mem>> -> memref<1x!tpu.dma_semaphore, #tpu.memory_space<semaphore_mem>>
      %dma_wait3A_255 = tpu.memref_squeeze %dma_wait3A_254 : memref<1x!tpu.dma_semaphore, #tpu.memory_space<semaphore_mem>> -> memref<!tpu.dma_semaphore, #tpu.memory_space<semaphore_mem>>
      %dma_wait3A_256 = arith.constant 0 : i32
      %dma_wait3A_257 = tpu.memref_slice %arg3[%dma_wait3A_256, %mul3A_248] : memref<8x4096xf32, #tpu.memory_space<hbm>> -> memref<8x128xf32, #tpu.memory_space<hbm>>
      %dma_wait3A_258 = arith.constant 0 : i32
      %dma_wait3A_259 = arith.constant 0 : i32
      %dma_wait3A_260 = tpu.memref_slice %run_scoped3A_8[%rem3A_246, %dma_wait3A_258, %dma_wait3A_259] : memref<2x8x128xf32, #tpu.memory_space<vmem>> -> memref<1x8x128xf32, #tpu.memory_space<vmem>>
      %dma_wait3A_261 = tpu.memref_squeeze %dma_wait3A_260 : memref<1x8x128xf32, #tpu.memory_space<vmem>> -> memref<8x128xf32, #tpu.memory_space<vmem>>
      tpu.wait_dma2 semaphore(%dma_wait3A_255 : memref<!tpu.dma_semaphore, #tpu.memory_space<semaphore_mem>>) src(%dma_wait3A_261 : memref<8x128xf32, #tpu.memory_space<vmem>>) dst(%dma_wait3A_257 : memref<8x128xf32, #tpu.memory_space<hbm>>)
      "tpu.trace_stop"() : () -> ()
      tpu.yield
    }) : () -> ()
    return
  }
}

module attributes {stable_mosaic.version = 14 : i64} {
  func.func @_stage2_kernel(%arg0: i32, %arg1: memref<1024x1024xbf16, #tpu.memory_space<vmem>>, %arg2: memref<2048x128xbf16, #tpu.memory_space<vmem>>, %arg3: memref<2048x128xbf16, #tpu.memory_space<vmem>>, %arg4: memref<1024x128xbf16, #tpu.memory_space<vmem>>, %arg5: memref<1024x128xbf16, #tpu.memory_space<vmem>>, %arg6: memref<8x1024xf32, #tpu.memory_space<vmem>>, %arg7: memref<128x1024xbf16, #tpu.memory_space<vmem>>, %arg8: memref<1024x128xbf16, #tpu.memory_space<vmem>>, %arg9: memref<1024x128xbf16, #tpu.memory_space<vmem>>, %arg10: memref<1x1024xf32, #tpu.memory_space<vmem>>, %arg11: memref<1x1024xf32, #tpu.memory_space<vmem>>, %arg12: memref<2x8x128xf32, #tpu.memory_space<vmem>>, %arg13: memref<1024x1024xf32, #tpu.memory_space<vmem>>, %arg14: memref<1x128xf32, #tpu.memory_space<vmem>>, %arg15: memref<2x8x128xf32, #tpu.memory_space<vmem>>) attributes {dimension_semantics = [#tpu.dimension_semantics<arbitrary>], iteration_bounds = array<i64: 4>, scalar_prefetch = 0 : i64, scratch_operands = 0 : i64, tpu.core_type = #tpu.core_type<tc>, window_params = [{transform_indices = @transform_0, window_bounds = array<i64: 1024, 1024>}, {transform_indices = @transform_1, window_bounds = array<i64: 2048, 128>}, {transform_indices = @transform_2, window_bounds = array<i64: 2048, 128>}, {transform_indices = @transform_3, window_bounds = array<i64: 1024, 128>}, {transform_indices = @transform_4, window_bounds = array<i64: 1024, 128>}, {transform_indices = @transform_5, window_bounds = array<i64: 8, 1024>}, {pipeline_mode = #tpu.pipeline_mode<synchronous>, transform_indices = @transform_6, window_bounds = array<i64: 128, 1024>}, {pipeline_mode = #tpu.pipeline_mode<synchronous>, transform_indices = @transform_7, window_bounds = array<i64: 1024, 128>}, {pipeline_mode = #tpu.pipeline_mode<synchronous>, transform_indices = @transform_8, window_bounds = array<i64: 1024, 128>}, {pipeline_mode = #tpu.pipeline_mode<synchronous>, transform_indices = @transform_9, window_bounds = array<i64: 1, 1024>}, {pipeline_mode = #tpu.pipeline_mode<synchronous>, transform_indices = @transform_10, window_bounds = array<i64: 1, 1024>}, {pipeline_mode = #tpu.pipeline_mode<synchronous>, transform_indices = @transform_11, window_bounds = array<i64: 2, 8, 128>}, {transform_indices = @transform_12, window_bounds = array<i64: 1024, 1024>}, {pipeline_mode = #tpu.pipeline_mode<synchronous>, transform_indices = @transform_13, window_bounds = array<i64: 1, 128>}, {pipeline_mode = #tpu.pipeline_mode<synchronous>, transform_indices = @transform_14, window_bounds = array<i64: 2, 8, 128>}]} {
    %get3A = arith.constant 0 : index
    %get3A_0 = arith.constant 0 : index
    %get3A_1 = vector.load %arg4[%get3A, %get3A_0] : memref<1024x128xbf16, #tpu.memory_space<vmem>>, vector<1024x128xbf16>
    %get3A_2 = arith.constant 0 : index
    %get3A_3 = arith.constant 0 : index
    %get3A_4 = vector.load %arg3[%get3A_2, %get3A_3] : memref<2048x128xbf16, #tpu.memory_space<vmem>>, vector<2048x128xbf16>
    %dot_general3A = arith.constant dense<0.000000e+00> : vector<1024x2048xf32>
    %dot_general3A_5 = tpu.matmul %get3A_1, %get3A_4, %dot_general3A {dimension_numbers = #tpu.dot_dimension_numbers<[1], [1], [0], [0], [0, 0, 1, 0], [], []>, transpose_lhs_hint = false} : vector<1024x128xbf16>, vector<2048x128xbf16>, vector<1024x2048xf32> -> vector<1024x2048xf32>
    %convert_element_type3A = arith.truncf %dot_general3A_5 : vector<1024x2048xf32> to vector<1024x2048xbf16>
    %jit3A = arith.constant -5.000000e+00 : bf16
    %jit3A_6 = arith.constant 5.000000e+00 : bf16
    %max3A = vector.broadcast %jit3A : bf16 to vector<1024x2048xbf16>
    %max3A_7 = arith.maximumf %max3A, %convert_element_type3A : vector<1024x2048xbf16>
    %min3A = vector.broadcast %jit3A_6 : bf16 to vector<1024x2048xbf16>
    %min3A_8 = arith.minimumf %min3A, %max3A_7 : vector<1024x2048xbf16>
    %logistic3A = arith.negf %min3A_8 : vector<1024x2048xbf16>
    %logistic3A_9 = math.exp %logistic3A : vector<1024x2048xbf16>
    %logistic3A_10 = arith.constant 1.000000e+00 : bf16
    %logistic3A_11 = vector.broadcast %logistic3A_10 : bf16 to vector<1024x2048xbf16>
    %logistic3A_12 = arith.addf %logistic3A_11, %logistic3A_9 : vector<1024x2048xbf16>
    %logistic3A_13 = arith.divf %logistic3A_11, %logistic3A_12 : vector<1024x2048xbf16>
    %mul3A = arith.mulf %min3A_8, %logistic3A_13 : vector<1024x2048xbf16>
    %get3A_14 = arith.constant 0 : index
    %get3A_15 = arith.constant 0 : index
    %get3A_16 = vector.load %arg2[%get3A_14, %get3A_15] : memref<2048x128xbf16, #tpu.memory_space<vmem>>, vector<2048x128xbf16>
    %dot_general3A_17 = arith.constant dense<0.000000e+00> : vector<1024x128xf32>
    %dot_general3A_18 = tpu.matmul %mul3A, %get3A_16, %dot_general3A_17 {dimension_numbers = #tpu.dot_dimension_numbers<[1], [0], [0], [1], [0, 0, 1, 1], [], []>, transpose_lhs_hint = false} : vector<1024x2048xbf16>, vector<2048x128xbf16>, vector<1024x128xf32> -> vector<1024x128xf32>
    %iota3A = tpu.iota {dimensions = array<i32: 1>} : vector<8x1024xi32>
    %jit3A_19 = arith.constant 128 : i32
    %div3A = vector.broadcast %jit3A_19 : i32 to vector<8x1024xi32>
    %div3A_20 = arith.divsi %iota3A, %div3A : vector<8x1024xi32>
    %sign3A = arith.constant 0 : i32
    %sign3A_21 = vector.broadcast %sign3A : i32 to vector<8x1024xi32>
    %sign3A_22 = arith.cmpi sgt, %iota3A, %sign3A_21 : vector<8x1024xi32>
    %sign3A_23 = arith.extui %sign3A_22 : vector<8x1024xi1> to vector<8x1024xi32>
    %sign3A_24 = arith.constant 0 : i32
    %sign3A_25 = vector.broadcast %sign3A_24 : i32 to vector<8x1024xi32>
    %sign3A_26 = arith.cmpi slt, %iota3A, %sign3A_25 : vector<8x1024xi32>
    %sign3A_27 = arith.extui %sign3A_26 : vector<8x1024xi1> to vector<8x1024xi32>
    %sign3A_28 = arith.subi %sign3A_23, %sign3A_27 : vector<8x1024xi32>
    %sign3A_29 = arith.constant 0 : i32
    %sign3A_30 = arith.cmpi sgt, %jit3A_19, %sign3A_29 : i32
    %sign3A_31 = arith.extui %sign3A_30 : i1 to i32
    %sign3A_32 = arith.constant 0 : i32
    %sign3A_33 = arith.cmpi slt, %jit3A_19, %sign3A_32 : i32
    %sign3A_34 = arith.extui %sign3A_33 : i1 to i32
    %sign3A_35 = arith.subi %sign3A_31, %sign3A_34 : i32
    %ne3A = vector.broadcast %sign3A_35 : i32 to vector<8x1024xi32>
    %ne3A_36 = arith.cmpi ne, %sign3A_28, %ne3A : vector<8x1024xi32>
    %rem3A = vector.broadcast %jit3A_19 : i32 to vector<8x1024xi32>
    %rem3A_37 = arith.remsi %iota3A, %rem3A : vector<8x1024xi32>
    %ne3A_38 = arith.constant 0 : i32
    %ne3A_39 = vector.broadcast %ne3A_38 : i32 to vector<8x1024xi32>
    %ne3A_40 = arith.cmpi ne, %rem3A_37, %ne3A_39 : vector<8x1024xi32>
    %and3A = arith.andi %ne3A_36, %ne3A_40 : vector<8x1024xi1>
    %sub3A = arith.constant 1 : i32
    %sub3A_41 = vector.broadcast %sub3A : i32 to vector<8x1024xi32>
    %sub3A_42 = arith.subi %div3A_20, %sub3A_41 : vector<8x1024xi32>
    %select_n3A = arith.select %and3A, %sub3A_42, %div3A_20 : vector<8x1024xi1>, vector<8x1024xi32>
    %iota3A_43 = tpu.iota {dimensions = array<i32: 0>} : vector<8x1024xi32>
    %eq3A = arith.cmpi eq, %select_n3A, %iota3A_43 : vector<8x1024xi32>
    %convert_element_type3A_44 = arith.extui %eq3A : vector<8x1024xi1> to vector<8x1024xi32>
    %convert_element_type3A_45 = arith.sitofp %convert_element_type3A_44 : vector<8x1024xi32> to vector<8x1024xf32>
    %convert_element_type3A_46 = arith.truncf %convert_element_type3A_45 : vector<8x1024xf32> to vector<8x1024xbf16>
    %iota3A_47 = tpu.iota {dimensions = array<i32: 0>} : vector<1024x8xi32>
    %jit3A_48 = arith.constant 128 : i32
    %div3A_49 = vector.broadcast %jit3A_48 : i32 to vector<1024x8xi32>
    %div3A_50 = arith.divsi %iota3A_47, %div3A_49 : vector<1024x8xi32>
    %sign3A_51 = arith.constant 0 : i32
    %sign3A_52 = vector.broadcast %sign3A_51 : i32 to vector<1024x8xi32>
    %sign3A_53 = arith.cmpi sgt, %iota3A_47, %sign3A_52 : vector<1024x8xi32>
    %sign3A_54 = arith.extui %sign3A_53 : vector<1024x8xi1> to vector<1024x8xi32>
    %sign3A_55 = arith.constant 0 : i32
    %sign3A_56 = vector.broadcast %sign3A_55 : i32 to vector<1024x8xi32>
    %sign3A_57 = arith.cmpi slt, %iota3A_47, %sign3A_56 : vector<1024x8xi32>
    %sign3A_58 = arith.extui %sign3A_57 : vector<1024x8xi1> to vector<1024x8xi32>
    %sign3A_59 = arith.subi %sign3A_54, %sign3A_58 : vector<1024x8xi32>
    %sign3A_60 = arith.constant 0 : i32
    %sign3A_61 = arith.cmpi sgt, %jit3A_48, %sign3A_60 : i32
    %sign3A_62 = arith.extui %sign3A_61 : i1 to i32
    %sign3A_63 = arith.constant 0 : i32
    %sign3A_64 = arith.cmpi slt, %jit3A_48, %sign3A_63 : i32
    %sign3A_65 = arith.extui %sign3A_64 : i1 to i32
    %sign3A_66 = arith.subi %sign3A_62, %sign3A_65 : i32
    %ne3A_67 = vector.broadcast %sign3A_66 : i32 to vector<1024x8xi32>
    %ne3A_68 = arith.cmpi ne, %sign3A_59, %ne3A_67 : vector<1024x8xi32>
    %rem3A_69 = vector.broadcast %jit3A_48 : i32 to vector<1024x8xi32>
    %rem3A_70 = arith.remsi %iota3A_47, %rem3A_69 : vector<1024x8xi32>
    %ne3A_71 = arith.constant 0 : i32
    %ne3A_72 = vector.broadcast %ne3A_71 : i32 to vector<1024x8xi32>
    %ne3A_73 = arith.cmpi ne, %rem3A_70, %ne3A_72 : vector<1024x8xi32>
    %and3A_74 = arith.andi %ne3A_68, %ne3A_73 : vector<1024x8xi1>
    %sub3A_75 = arith.constant 1 : i32
    %sub3A_76 = vector.broadcast %sub3A_75 : i32 to vector<1024x8xi32>
    %sub3A_77 = arith.subi %div3A_50, %sub3A_76 : vector<1024x8xi32>
    %select_n3A_78 = arith.select %and3A_74, %sub3A_77, %div3A_50 : vector<1024x8xi1>, vector<1024x8xi32>
    %iota3A_79 = tpu.iota {dimensions = array<i32: 1>} : vector<1024x8xi32>
    %eq3A_80 = arith.cmpi eq, %select_n3A_78, %iota3A_79 : vector<1024x8xi32>
    %convert_element_type3A_81 = arith.extui %eq3A_80 : vector<1024x8xi1> to vector<1024x8xi32>
    %convert_element_type3A_82 = arith.sitofp %convert_element_type3A_81 : vector<1024x8xi32> to vector<1024x8xf32>
    %convert_element_type3A_83 = arith.truncf %convert_element_type3A_82 : vector<1024x8xf32> to vector<1024x8xbf16>
    %mul3A_84 = arith.constant 7.812500e-03 : bf16
    %mul3A_85 = vector.broadcast %mul3A_84 : bf16 to vector<1024x8xbf16>
    %mul3A_86 = arith.mulf %convert_element_type3A_83, %mul3A_85 : vector<1024x8xbf16>
    %iota3A_87 = tpu.iota {dimensions = array<i32: 0>} : vector<1024x128xi32>
    %jit3A_88 = arith.constant 128 : i32
    %eq3A_89 = arith.constant 0 : i32
    %eq3A_90 = arith.cmpi eq, %jit3A_88, %eq3A_89 : i32
    %jit3A_91 = arith.constant 1 : i32
    %select_n3A_92 = arith.select %eq3A_90, %jit3A_91, %jit3A_88 : i32
    %rem3A_93 = vector.broadcast %select_n3A_92 : i32 to vector<1024x128xi32>
    %rem3A_94 = arith.remsi %iota3A_87, %rem3A_93 : vector<1024x128xi32>
    %ne3A_95 = arith.constant 0 : i32
    %ne3A_96 = vector.broadcast %ne3A_95 : i32 to vector<1024x128xi32>
    %ne3A_97 = arith.cmpi ne, %rem3A_94, %ne3A_96 : vector<1024x128xi32>
    %lt3A = arith.constant 0 : i32
    %lt3A_98 = vector.broadcast %lt3A : i32 to vector<1024x128xi32>
    %lt3A_99 = arith.cmpi slt, %rem3A_94, %lt3A_98 : vector<1024x128xi32>
    %lt3A_100 = arith.constant 0 : i32
    %lt3A_101 = arith.cmpi slt, %select_n3A_92, %lt3A_100 : i32
    %ne3A_102 = vector.broadcast %lt3A_101 : i1 to vector<1024x128xi1>
    %ne3A_103 = vector.broadcast %ne3A_102 : vector<1024x128xi1> to vector<1024x128xi1>
    %ne3A_104 = arith.xori %lt3A_99, %ne3A_103 : vector<1024x128xi1>
    %and3A_105 = arith.andi %ne3A_104, %ne3A_97 : vector<1024x128xi1>
    %add3A = vector.broadcast %select_n3A_92 : i32 to vector<1024x128xi32>
    %add3A_106 = arith.addi %rem3A_94, %add3A : vector<1024x128xi32>
    %select_n3A_107 = arith.select %and3A_105, %add3A_106, %rem3A_94 : vector<1024x128xi1>, vector<1024x128xi32>
    %iota3A_108 = tpu.iota {dimensions = array<i32: 1>} : vector<1024x128xi32>
    %eq3A_109 = arith.cmpi eq, %select_n3A_107, %iota3A_108 : vector<1024x128xi32>
    %convert_element_type3A_110 = arith.extui %eq3A_109 : vector<1024x128xi1> to vector<1024x128xi32>
    %convert_element_type3A_111 = arith.sitofp %convert_element_type3A_110 : vector<1024x128xi32> to vector<1024x128xf32>
    %convert_element_type3A_112 = arith.truncf %convert_element_type3A_111 : vector<1024x128xf32> to vector<1024x128xbf16>
    %get3A_113 = arith.constant 0 : index
    %get3A_114 = arith.constant 0 : index
    %get3A_115 = vector.load %arg5[%get3A_113, %get3A_114] : memref<1024x128xbf16, #tpu.memory_space<vmem>>, vector<1024x128xbf16>
    %get3A_116 = arith.constant 0 : index
    %get3A_117 = arith.constant 0 : index
    %get3A_118 = vector.load %arg7[%get3A_116, %get3A_117] : memref<128x1024xbf16, #tpu.memory_space<vmem>>, vector<128x1024xbf16>
    %dot_general3A_119 = arith.constant dense<0.000000e+00> : vector<1024x1024xf32>
    %dot_general3A_120 = tpu.matmul %get3A_115, %get3A_118, %dot_general3A_119 {dimension_numbers = #tpu.dot_dimension_numbers<[1], [0], [0], [1], [0, 0, 1, 1], [], []>, transpose_lhs_hint = false} : vector<1024x128xbf16>, vector<128x1024xbf16>, vector<1024x1024xf32> -> vector<1024x1024xf32>
    %convert_element_type3A_121 = arith.truncf %dot_general3A_120 : vector<1024x1024xf32> to vector<1024x1024xbf16>
    %dot_general3A_122 = arith.constant dense<0.000000e+00> : vector<1024x8xf32>
    %dot_general3A_123 = tpu.matmul %convert_element_type3A_121, %mul3A_86, %dot_general3A_122 {dimension_numbers = #tpu.dot_dimension_numbers<[1], [0], [0], [1], [0, 0, 1, 1], [], []>, transpose_lhs_hint = false} : vector<1024x1024xbf16>, vector<1024x8xbf16>, vector<1024x8xf32> -> vector<1024x8xf32>
    %mul3A_124 = arith.mulf %dot_general3A_120, %dot_general3A_120 : vector<1024x1024xf32>
    %convert_element_type3A_125 = arith.truncf %mul3A_124 : vector<1024x1024xf32> to vector<1024x1024xbf16>
    %dot_general3A_126 = arith.constant dense<0.000000e+00> : vector<1024x8xf32>
    %dot_general3A_127 = tpu.matmul %convert_element_type3A_125, %mul3A_86, %dot_general3A_126 {dimension_numbers = #tpu.dot_dimension_numbers<[1], [0], [0], [1], [0, 0, 1, 1], [], []>, transpose_lhs_hint = false} : vector<1024x1024xbf16>, vector<1024x8xbf16>, vector<1024x8xf32> -> vector<1024x8xf32>
    %convert_element_type3A_128 = arith.truncf %dot_general3A_123 : vector<1024x8xf32> to vector<1024x8xbf16>
    %dot_general3A_129 = arith.constant dense<0.000000e+00> : vector<1024x1024xf32>
    %dot_general3A_130 = tpu.matmul %convert_element_type3A_128, %convert_element_type3A_46, %dot_general3A_129 {dimension_numbers = #tpu.dot_dimension_numbers<[1], [0], [0], [1], [0, 0, 1, 1], [], []>, transpose_lhs_hint = false} : vector<1024x8xbf16>, vector<8x1024xbf16>, vector<1024x1024xf32> -> vector<1024x1024xf32>
    %convert_element_type3A_131 = arith.truncf %dot_general3A_127 : vector<1024x8xf32> to vector<1024x8xbf16>
    %dot_general3A_132 = arith.constant dense<0.000000e+00> : vector<1024x1024xf32>
    %dot_general3A_133 = tpu.matmul %convert_element_type3A_131, %convert_element_type3A_46, %dot_general3A_132 {dimension_numbers = #tpu.dot_dimension_numbers<[1], [0], [0], [1], [0, 0, 1, 1], [], []>, transpose_lhs_hint = false} : vector<1024x8xbf16>, vector<8x1024xbf16>, vector<1024x1024xf32> -> vector<1024x1024xf32>
    %mul3A_134 = arith.mulf %dot_general3A_130, %dot_general3A_130 : vector<1024x1024xf32>
    %sub3A_135 = arith.subf %dot_general3A_133, %mul3A_134 : vector<1024x1024xf32>
    %max3A_136 = arith.constant 0.000000e+00 : f32
    %max3A_137 = vector.broadcast %max3A_136 : f32 to vector<1024x1024xf32>
    %max3A_138 = arith.maximumf %sub3A_135, %max3A_137 : vector<1024x1024xf32>
    %add3A_139 = arith.constant 9.99999974E-6 : f32
    %add3A_140 = vector.broadcast %add3A_139 : f32 to vector<1024x1024xf32>
    %add3A_141 = arith.addf %max3A_138, %add3A_140 : vector<1024x1024xf32>
    %rsqrt3A = math.rsqrt %add3A_141 : vector<1024x1024xf32>
    %sub3A_142 = arith.subf %dot_general3A_120, %dot_general3A_130 : vector<1024x1024xf32>
    %mul3A_143 = arith.mulf %sub3A_142, %rsqrt3A : vector<1024x1024xf32>
    %get3A_144 = arith.constant 0 : index
    %get3A_145 = arith.constant 0 : index
    %get3A_146 = vector.load %arg10[%get3A_144, %get3A_145] : memref<1x1024xf32, #tpu.memory_space<vmem>>, vector<1x1024xf32>
    %mul3A_147 = vector.broadcast %get3A_146 : vector<1x1024xf32> to vector<1024x1024xf32>
    %mul3A_148 = arith.mulf %mul3A_143, %mul3A_147 : vector<1024x1024xf32>
    %get3A_149 = arith.constant 0 : index
    %get3A_150 = arith.constant 0 : index
    %get3A_151 = vector.load %arg11[%get3A_149, %get3A_150] : memref<1x1024xf32, #tpu.memory_space<vmem>>, vector<1x1024xf32>
    %add3A_152 = vector.broadcast %get3A_151 : vector<1x1024xf32> to vector<1024x1024xf32>
    %add3A_153 = arith.addf %mul3A_148, %add3A_152 : vector<1024x1024xf32>
    %get3A_154 = arith.constant 0 : index
    %get3A_155 = arith.constant 0 : index
    %get3A_156 = vector.load %arg6[%get3A_154, %get3A_155] : memref<8x1024xf32, #tpu.memory_space<vmem>>, vector<8x1024xf32>
    %convert_element_type3A_157 = arith.truncf %get3A_156 : vector<8x1024xf32> to vector<8x1024xbf16>
    %dot_general3A_158 = arith.constant dense<0.000000e+00> : vector<1024x1024xf32>
    %dot_general3A_159 = tpu.matmul %convert_element_type3A_157, %convert_element_type3A_46, %dot_general3A_158 {dimension_numbers = #tpu.dot_dimension_numbers<[0], [0], [1], [1], [0, 1, 1, 1], [], []>, transpose_lhs_hint = false} : vector<8x1024xbf16>, vector<8x1024xbf16>, vector<1024x1024xf32> -> vector<1024x1024xf32>
    %mul3A_160 = arith.mulf %add3A_153, %dot_general3A_159 : vector<1024x1024xf32>
    %convert_element_type3A_161 = arith.truncf %mul3A_160 : vector<1024x1024xf32> to vector<1024x1024xbf16>
    %dot_general3A_162 = arith.constant dense<0.000000e+00> : vector<1024x128xf32>
    %dot_general3A_163 = tpu.matmul %convert_element_type3A_161, %convert_element_type3A_112, %dot_general3A_162 {dimension_numbers = #tpu.dot_dimension_numbers<[1], [0], [0], [1], [0, 0, 1, 1], [], []>, transpose_lhs_hint = false} : vector<1024x1024xbf16>, vector<1024x128xbf16>, vector<1024x128xf32> -> vector<1024x128xf32>
    %get3A_164 = arith.constant 0 : index
    %get3A_165 = arith.constant 0 : index
    %get3A_166 = vector.load %arg1[%get3A_164, %get3A_165] : memref<1024x1024xbf16, #tpu.memory_space<vmem>>, vector<1024x1024xbf16>
    %convert_element_type3A_167 = arith.truncf %dot_general3A_18 : vector<1024x128xf32> to vector<1024x128xbf16>
    %get3A_168 = arith.constant 0 : index
    %get3A_169 = arith.constant 0 : index
    %get3A_170 = vector.load %arg8[%get3A_168, %get3A_169] : memref<1024x128xbf16, #tpu.memory_space<vmem>>, vector<1024x128xbf16>
    %dot_general3A_171 = arith.constant dense<0.000000e+00> : vector<1024x1024xf32>
    %dot_general3A_172 = tpu.matmul %convert_element_type3A_167, %get3A_170, %dot_general3A_171 {dimension_numbers = #tpu.dot_dimension_numbers<[1], [1], [0], [0], [0, 0, 1, 0], [], []>, transpose_lhs_hint = false} : vector<1024x128xbf16>, vector<1024x128xbf16>, vector<1024x1024xf32> -> vector<1024x1024xf32>
    %convert_element_type3A_173 = arith.extf %get3A_166 : vector<1024x1024xbf16> to vector<1024x1024xf32>
    %add3A_174 = arith.addf %convert_element_type3A_173, %dot_general3A_172 : vector<1024x1024xf32>
    %convert_element_type3A_175 = arith.truncf %dot_general3A_163 : vector<1024x128xf32> to vector<1024x128xbf16>
    %get3A_176 = arith.constant 0 : index
    %get3A_177 = arith.constant 0 : index
    %get3A_178 = vector.load %arg9[%get3A_176, %get3A_177] : memref<1024x128xbf16, #tpu.memory_space<vmem>>, vector<1024x128xbf16>
    %dot_general3A_179 = arith.constant dense<0.000000e+00> : vector<1024x1024xf32>
    %dot_general3A_180 = tpu.matmul %convert_element_type3A_175, %get3A_178, %dot_general3A_179 {dimension_numbers = #tpu.dot_dimension_numbers<[1], [1], [0], [0], [0, 0, 1, 0], [], []>, transpose_lhs_hint = false} : vector<1024x128xbf16>, vector<1024x128xbf16>, vector<1024x1024xf32> -> vector<1024x1024xf32>
    %add3A_181 = arith.addf %add3A_174, %dot_general3A_180 : vector<1024x1024xf32>
    %swap3A = arith.constant 0 : index
    %swap3A_182 = arith.constant 0 : index
    %swap3A_183 = vector.load %arg13[%swap3A, %swap3A_182] : memref<1024x1024xf32, #tpu.memory_space<vmem>>, vector<1024x1024xf32>
    tpu.vector_store %arg13[%swap3A, %swap3A_182], %add3A_181 {strides = array<i32>} : memref<1024x1024xf32, #tpu.memory_space<vmem>>, vector<1024x1024xf32>,
    %reduce_sum3A = arith.constant dense<0.000000e+00> : vector<8xf32>
    %reduce_sum3A_184 = vector.multi_reduction <add>, %get3A_156, %reduce_sum3A [1] : vector<8x1024xf32> to vector<8xf32>
    %broadcast_in_dim3A = vector.shape_cast %reduce_sum3A_184 : vector<8xf32> to vector<8x1xf32>
    %iota3A_185 = tpu.iota {dimensions = array<i32: 1>} : vector<8x128xi32>
    %eq3A_186 = arith.constant 0 : i32
    %eq3A_187 = vector.broadcast %eq3A_186 : i32 to vector<8x128xi32>
    %eq3A_188 = arith.cmpi eq, %iota3A_185, %eq3A_187 : vector<8x128xi32>
    %jit3A_189 = arith.constant 0.000000e+00 : f32
    %broadcast_in_dim3A_190 = vector.shape_cast %broadcast_in_dim3A : vector<8x1xf32> to vector<8x1xf32>
    %broadcast_in_dim3A_191 = vector.broadcast %broadcast_in_dim3A_190 : vector<8x1xf32> to vector<8x128xf32>
    %broadcast_in_dim3A_192 = vector.broadcast %jit3A_189 : f32 to vector<8x128xf32>
    %select_n3A_193 = arith.select %eq3A_188, %broadcast_in_dim3A_191, %broadcast_in_dim3A_192 : vector<8x128xi1>, vector<8x128xf32>
    %reshape3A = vector.shape_cast %select_n3A_193 : vector<8x128xf32> to vector<1x8x128xf32>
    %eq3A_194 = arith.constant 0 : i32
    %eq3A_195 = arith.cmpi eq, %arg0, %eq3A_194 : i32
    %convert_element_type3A_196 = arith.extui %eq3A_195 : i1 to i32
    %cond3A = arith.constant 0 : i32
    %cond3A_197 = arith.cmpi ne, %convert_element_type3A_196, %cond3A : i32
    scf.if %cond3A_197 {
      %broadcast_in_dim3A_212 = arith.constant 0.000000e+00 : f32
      %broadcast_in_dim3A_213 = vector.broadcast %broadcast_in_dim3A_212 : f32 to vector<2x8x128xf32>
      %swap3A_214 = arith.constant 0 : index
      %swap3A_215 = arith.constant 0 : index
      %swap3A_216 = arith.constant 0 : index
      %swap3A_217 = vector.load %arg15[%swap3A_214, %swap3A_215, %swap3A_216] : memref<2x8x128xf32, #tpu.memory_space<vmem>>, vector<2x8x128xf32>
      tpu.vector_store %arg15[%swap3A_214, %swap3A_215, %swap3A_216], %broadcast_in_dim3A_213 {strides = array<i32>} : memref<2x8x128xf32, #tpu.memory_space<vmem>>, vector<2x8x128xf32>,
    } else {
    }
    %lt3A_198 = arith.constant 2 : i32
    %lt3A_199 = arith.cmpi slt, %arg0, %lt3A_198 : i32
    %convert_element_type3A_200 = arith.extui %lt3A_199 : i1 to i32
    %cond3A_201 = arith.constant 0 : i32
    %cond3A_202 = arith.cmpi ne, %convert_element_type3A_200, %cond3A_201 : i32
    scf.if %cond3A_202 {
      %get3A_212 = arith.constant 0 : index
      %get3A_213 = arith.constant 0 : index
      %get3A_214 = arith.constant 0 : index
      %get3A_215 = vector.load %arg15[%get3A_212, %get3A_213, %get3A_214] : memref<2x8x128xf32, #tpu.memory_space<vmem>>, vector<1x8x128xf32>
      %add3A_216 = arith.addf %get3A_215, %reshape3A : vector<1x8x128xf32>
      %swap3A_217 = arith.constant 0 : index
      %swap3A_218 = arith.constant 0 : index
      %swap3A_219 = arith.constant 0 : index
      %swap3A_220 = vector.load %arg15[%swap3A_217, %swap3A_218, %swap3A_219] : memref<2x8x128xf32, #tpu.memory_space<vmem>>, vector<1x8x128xf32>
      tpu.vector_store %arg15[%swap3A_217, %swap3A_218, %swap3A_219], %add3A_216 {strides = array<i32>} : memref<2x8x128xf32, #tpu.memory_space<vmem>>, vector<1x8x128xf32>,
    } else {
    }
    %ge3A = arith.constant 2 : i32
    %ge3A_203 = arith.cmpi sge, %arg0, %ge3A : i32
    %convert_element_type3A_204 = arith.extui %ge3A_203 : i1 to i32
    %cond3A_205 = arith.constant 0 : i32
    %cond3A_206 = arith.cmpi ne, %convert_element_type3A_204, %cond3A_205 : i32
    scf.if %cond3A_206 {
      %get3A_212 = arith.constant 1 : index
      %get3A_213 = arith.constant 0 : index
      %get3A_214 = arith.constant 0 : index
      %get3A_215 = vector.load %arg15[%get3A_212, %get3A_213, %get3A_214] : memref<2x8x128xf32, #tpu.memory_space<vmem>>, vector<1x8x128xf32>
      %add3A_216 = arith.addf %get3A_215, %reshape3A : vector<1x8x128xf32>
      %swap3A_217 = arith.constant 1 : index
      %swap3A_218 = arith.constant 0 : index
      %swap3A_219 = arith.constant 0 : index
      %swap3A_220 = vector.load %arg15[%swap3A_217, %swap3A_218, %swap3A_219] : memref<2x8x128xf32, #tpu.memory_space<vmem>>, vector<1x8x128xf32>
      tpu.vector_store %arg15[%swap3A_217, %swap3A_218, %swap3A_219], %add3A_216 {strides = array<i32>} : memref<2x8x128xf32, #tpu.memory_space<vmem>>, vector<1x8x128xf32>,
    } else {
    }
    %eq3A_207 = arith.constant 3 : i32
    %eq3A_208 = arith.cmpi eq, %arg0, %eq3A_207 : i32
    %convert_element_type3A_209 = arith.extui %eq3A_208 : i1 to i32
    %cond3A_210 = arith.constant 0 : i32
    %cond3A_211 = arith.cmpi ne, %convert_element_type3A_209, %cond3A_210 : i32
    scf.if %cond3A_211 {
      %get3A_212 = arith.constant 0 : index
      %get3A_213 = arith.constant 0 : index
      %get3A_214 = arith.constant 0 : index
      %get3A_215 = vector.load %arg15[%get3A_212, %get3A_213, %get3A_214] : memref<2x8x128xf32, #tpu.memory_space<vmem>>, vector<2x8x128xf32>
      %slice3A = vector.extract_strided_slice %get3A_215 {offsets = [0, 0, 0], sizes = [2, 8, 1], strides = [1, 1, 1]} : vector<2x8x128xf32> to vector<2x8x1xf32>
      %squeeze3A = vector.shape_cast %slice3A : vector<2x8x1xf32> to vector<2x8xf32>
      %mul3A_216 = arith.constant 4.8828125E-4 : f32
      %mul3A_217 = vector.broadcast %mul3A_216 : f32 to vector<2x8xf32>
      %mul3A_218 = arith.mulf %squeeze3A, %mul3A_217 : vector<2x8xf32>
      %get3A_219 = arith.constant 0 : index
      %get3A_220 = arith.constant 0 : index
      %get3A_221 = arith.constant 0 : index
      %get3A_222 = vector.load %arg12[%get3A_219, %get3A_220, %get3A_221] : memref<2x8x128xf32, #tpu.memory_space<vmem>>, vector<2x8x128xf32>
      %slice3A_223 = vector.extract_strided_slice %get3A_222 {offsets = [0, 0, 1], sizes = [2, 1, 1], strides = [1, 1, 1]} : vector<2x8x128xf32> to vector<2x1x1xf32>
      %reduce_sum3A_224 = vector.shape_cast %slice3A_223 : vector<2x1x1xf32> to vector<1x2x1x1xf32>
      %reduce_sum3A_225 = arith.constant dense<0.000000e+00> : vector<1xf32>
      %reduce_sum3A_226 = vector.multi_reduction <add>, %reduce_sum3A_224, %reduce_sum3A_225 [1, 2, 3] : vector<1x2x1x1xf32> to vector<1xf32>
      %reduce_sum3A_227 = vector.shape_cast %reduce_sum3A_226 : vector<1xf32> to vector<1x1x1x1xf32>
      %reduce_sum3A_228 = vector.extract %reduce_sum3A_227[0, 0, 0, 0] : f32 from vector<1x1x1x1xf32>
      %reduce_sum3A_229 = vector.shape_cast %mul3A_218 : vector<2x8xf32> to vector<1x2x8xf32>
      %reduce_sum3A_230 = arith.constant dense<0.000000e+00> : vector<1xf32>
      %reduce_sum3A_231 = vector.multi_reduction <add>, %reduce_sum3A_229, %reduce_sum3A_230 [1, 2] : vector<1x2x8xf32> to vector<1xf32>
      %reduce_sum3A_232 = vector.shape_cast %reduce_sum3A_231 : vector<1xf32> to vector<1x1x1xf32>
      %reduce_sum3A_233 = vector.extract %reduce_sum3A_232[0, 0, 0] : f32 from vector<1x1x1xf32>
      %div3A_234 = arith.constant 1.600000e+01 : f32
      %div3A_235 = arith.divf %reduce_sum3A_233, %div3A_234 : f32
      %sub3A_236 = vector.broadcast %div3A_235 : f32 to vector<2x8xf32>
      %sub3A_237 = arith.subf %mul3A_218, %sub3A_236 : vector<2x8xf32>
      %sub3A_238 = vector.broadcast %div3A_235 : f32 to vector<2x8xf32>
      %sub3A_239 = arith.subf %mul3A_218, %sub3A_238 : vector<2x8xf32>
      %mul3A_240 = arith.mulf %sub3A_237, %sub3A_239 : vector<2x8xf32>
      %reduce_sum3A_241 = vector.shape_cast %mul3A_240 : vector<2x8xf32> to vector<1x2x8xf32>
      %reduce_sum3A_242 = arith.constant dense<0.000000e+00> : vector<1xf32>
      %reduce_sum3A_243 = vector.multi_reduction <add>, %reduce_sum3A_241, %reduce_sum3A_242 [1, 2] : vector<1x2x8xf32> to vector<1xf32>
      %reduce_sum3A_244 = vector.shape_cast %reduce_sum3A_243 : vector<1xf32> to vector<1x1x1xf32>
      %reduce_sum3A_245 = vector.extract %reduce_sum3A_244[0, 0, 0] : f32 from vector<1x1x1xf32>
      %div3A_246 = arith.constant 1.500000e+01 : f32
      %div3A_247 = arith.divf %reduce_sum3A_245, %div3A_246 : f32
      %sqrt3A = math.sqrt %div3A_247 : f32
      %div3A_248 = arith.divf %sqrt3A, %div3A_235 : f32
      %mul3A_249 = arith.constant 1.000000e+01 : f32
      %mul3A_250 = arith.mulf %div3A_248, %mul3A_249 : f32
      %mul3A_251 = arith.constant 3.05175781E-5 : f32
      %mul3A_252 = arith.mulf %reduce_sum3A_228, %mul3A_251 : f32
      %mul3A_253 = arith.constant 1.000000e-03 : f32
      %mul3A_254 = arith.mulf %mul3A_253, %mul3A_252 : f32
      %mul3A_255 = arith.constant 1.000000e-01 : f32
      %mul3A_256 = arith.mulf %mul3A_255, %mul3A_250 : f32
      %add3A_257 = arith.addf %mul3A_254, %mul3A_256 : f32
      %broadcast_in_dim3A_258 = vector.broadcast %add3A_257 : f32 to vector<1x128xf32>
      %swap3A_259 = arith.constant 0 : index
      %swap3A_260 = arith.constant 0 : index
      %swap3A_261 = vector.load %arg14[%swap3A_259, %swap3A_260] : memref<1x128xf32, #tpu.memory_space<vmem>>, vector<1x128xf32>
      tpu.vector_store %arg14[%swap3A_259, %swap3A_260], %broadcast_in_dim3A_258 {strides = array<i32>} : memref<1x128xf32, #tpu.memory_space<vmem>>, vector<1x128xf32>,
    } else {
    }
    return
  }
  func.func @transform_0(%arg0: i32) -> (i32, i32) {
    %c0_i32 = arith.constant 0 : i32
    %c0_i32_0 = arith.constant 0 : i32
    return %arg0, %c0_i32 : i32, i32
  }
  func.func @transform_1(%arg0: i32) -> (i32, i32) {
    %jit3A = arith.constant 2 : i32
    %div3A = arith.divsi %arg0, %jit3A : i32
    %sign3A = arith.constant 0 : i32
    %sign3A_0 = arith.cmpi sgt, %arg0, %sign3A : i32
    %sign3A_1 = arith.extui %sign3A_0 : i1 to i32
    %sign3A_2 = arith.constant 0 : i32
    %sign3A_3 = arith.cmpi slt, %arg0, %sign3A_2 : i32
    %sign3A_4 = arith.extui %sign3A_3 : i1 to i32
    %sign3A_5 = arith.subi %sign3A_1, %sign3A_4 : i32
    %sign3A_6 = arith.constant 0 : i32
    %sign3A_7 = arith.cmpi sgt, %jit3A, %sign3A_6 : i32
    %sign3A_8 = arith.extui %sign3A_7 : i1 to i32
    %sign3A_9 = arith.constant 0 : i32
    %sign3A_10 = arith.cmpi slt, %jit3A, %sign3A_9 : i32
    %sign3A_11 = arith.extui %sign3A_10 : i1 to i32
    %sign3A_12 = arith.subi %sign3A_8, %sign3A_11 : i32
    %ne3A = arith.cmpi ne, %sign3A_5, %sign3A_12 : i32
    %rem3A = arith.remsi %arg0, %jit3A : i32
    %ne3A_13 = arith.constant 0 : i32
    %ne3A_14 = arith.cmpi ne, %rem3A, %ne3A_13 : i32
    %and3A = arith.andi %ne3A, %ne3A_14 : i1
    %sub3A = arith.constant 1 : i32
    %sub3A_15 = arith.subi %div3A, %sub3A : i32
    %select_n3A = arith.select %and3A, %sub3A_15, %div3A : i32
    %c0_i32 = arith.constant 0 : i32
    %c0_i32_16 = arith.constant 0 : i32
    return %select_n3A, %c0_i32 : i32, i32
  }
  func.func @transform_2(%arg0: i32) -> (i32, i32) {
    %jit3A = arith.constant 2 : i32
    %div3A = arith.divsi %arg0, %jit3A : i32
    %sign3A = arith.constant 0 : i32
    %sign3A_0 = arith.cmpi sgt, %arg0, %sign3A : i32
    %sign3A_1 = arith.extui %sign3A_0 : i1 to i32
    %sign3A_2 = arith.constant 0 : i32
    %sign3A_3 = arith.cmpi slt, %arg0, %sign3A_2 : i32
    %sign3A_4 = arith.extui %sign3A_3 : i1 to i32
    %sign3A_5 = arith.subi %sign3A_1, %sign3A_4 : i32
    %sign3A_6 = arith.constant 0 : i32
    %sign3A_7 = arith.cmpi sgt, %jit3A, %sign3A_6 : i32
    %sign3A_8 = arith.extui %sign3A_7 : i1 to i32
    %sign3A_9 = arith.constant 0 : i32
    %sign3A_10 = arith.cmpi slt, %jit3A, %sign3A_9 : i32
    %sign3A_11 = arith.extui %sign3A_10 : i1 to i32
    %sign3A_12 = arith.subi %sign3A_8, %sign3A_11 : i32
    %ne3A = arith.cmpi ne, %sign3A_5, %sign3A_12 : i32
    %rem3A = arith.remsi %arg0, %jit3A : i32
    %ne3A_13 = arith.constant 0 : i32
    %ne3A_14 = arith.cmpi ne, %rem3A, %ne3A_13 : i32
    %and3A = arith.andi %ne3A, %ne3A_14 : i1
    %sub3A = arith.constant 1 : i32
    %sub3A_15 = arith.subi %div3A, %sub3A : i32
    %select_n3A = arith.select %and3A, %sub3A_15, %div3A : i32
    %c0_i32 = arith.constant 0 : i32
    %c0_i32_16 = arith.constant 0 : i32
    return %select_n3A, %c0_i32 : i32, i32
  }
  func.func @transform_3(%arg0: i32) -> (i32, i32) {
    %c0_i32 = arith.constant 0 : i32
    %c0_i32_0 = arith.constant 0 : i32
    return %arg0, %c0_i32 : i32, i32
  }
  func.func @transform_4(%arg0: i32) -> (i32, i32) {
    %c0_i32 = arith.constant 0 : i32
    %c0_i32_0 = arith.constant 0 : i32
    return %arg0, %c0_i32 : i32, i32
  }
  func.func @transform_5(%arg0: i32) -> (i32, i32) {
    %c0_i32 = arith.constant 0 : i32
    %c0_i32_0 = arith.constant 0 : i32
    return %c0_i32, %arg0 : i32, i32
  }
  func.func @transform_6(%arg0: i32) -> (i32, i32) {
    %c0_i32 = arith.constant 0 : i32
    %c0_i32_0 = arith.constant 0 : i32
    %c0_i32_1 = arith.constant 0 : i32
    return %c0_i32, %c0_i32_0 : i32, i32
  }
  func.func @transform_7(%arg0: i32) -> (i32, i32) {
    %c0_i32 = arith.constant 0 : i32
    %c0_i32_0 = arith.constant 0 : i32
    %c0_i32_1 = arith.constant 0 : i32
    return %c0_i32, %c0_i32_0 : i32, i32
  }
  func.func @transform_8(%arg0: i32) -> (i32, i32) {
    %c0_i32 = arith.constant 0 : i32
    %c0_i32_0 = arith.constant 0 : i32
    %c0_i32_1 = arith.constant 0 : i32
    return %c0_i32, %c0_i32_0 : i32, i32
  }
  func.func @transform_9(%arg0: i32) -> (i32, i32) {
    %c0_i32 = arith.constant 0 : i32
    %c0_i32_0 = arith.constant 0 : i32
    %c0_i32_1 = arith.constant 0 : i32
    return %c0_i32, %c0_i32_0 : i32, i32
  }
  func.func @transform_10(%arg0: i32) -> (i32, i32) {
    %c0_i32 = arith.constant 0 : i32
    %c0_i32_0 = arith.constant 0 : i32
    %c0_i32_1 = arith.constant 0 : i32
    return %c0_i32, %c0_i32_0 : i32, i32
  }
  func.func @transform_11(%arg0: i32) -> (i32, i32, i32) {
    %c0_i32 = arith.constant 0 : i32
    %c0_i32_0 = arith.constant 0 : i32
    %c0_i32_1 = arith.constant 0 : i32
    %c0_i32_2 = arith.constant 0 : i32
    return %c0_i32, %c0_i32_0, %c0_i32_1 : i32, i32, i32
  }
  func.func @transform_12(%arg0: i32) -> (i32, i32) {
    %c0_i32 = arith.constant 0 : i32
    %c0_i32_0 = arith.constant 0 : i32
    return %arg0, %c0_i32 : i32, i32
  }
  func.func @transform_13(%arg0: i32) -> (i32, i32) {
    %c0_i32 = arith.constant 0 : i32
    %c0_i32_0 = arith.constant 0 : i32
    %c0_i32_1 = arith.constant 0 : i32
    return %c0_i32, %c0_i32_0 : i32, i32
  }
  func.func @transform_14(%arg0: i32) -> (i32, i32, i32) {
    %c0_i32 = arith.constant 0 : i32
    %c0_i32_0 = arith.constant 0 : i32
    %c0_i32_1 = arith.constant 0 : i32
    %c0_i32_2 = arith.constant 0 : i32
    return %c0_i32, %c0_i32_0, %c0_i32_1 : i32, i32, i32
  }
}

module attributes {stable_mosaic.version = 14 : i64} {
  func.func @_stage1_kernel(%arg0: i32, %arg1: memref<1024x1024xf32, #tpu.memory_space<vmem>>, %arg2: memref<2048x1024xbf16, #tpu.memory_space<vmem>>, %arg3: memref<2048x1024xbf16, #tpu.memory_space<vmem>>, %arg4: memref<128x1024xbf16, #tpu.memory_space<vmem>>, %arg5: memref<128x2048xbf16, #tpu.memory_space<vmem>>, %arg6: memref<1024x2048xbf16, #tpu.memory_space<vmem>>, %arg7: memref<1x2048xf32, #tpu.memory_space<vmem>>, %arg8: memref<1x2048xf32, #tpu.memory_space<vmem>>, %arg9: memref<1x128xf32, #tpu.memory_space<vmem>>, %arg10: memref<1x128xf32, #tpu.memory_space<vmem>>, %arg11: memref<1x128xf32, #tpu.memory_space<vmem>>, %arg12: memref<1x128xf32, #tpu.memory_space<vmem>>, %arg13: memref<1x1024xf32, #tpu.memory_space<vmem>>, %arg14: memref<1024x1024xbf16, #tpu.memory_space<vmem>>, %arg15: memref<1024x128xbf16, #tpu.memory_space<vmem>>, %arg16: memref<1024x128xbf16, #tpu.memory_space<vmem>>, %arg17: memref<1024x128xbf16, #tpu.memory_space<vmem>>) attributes {dimension_semantics = [#tpu.dimension_semantics<arbitrary>], iteration_bounds = array<i64: 4>, scalar_prefetch = 0 : i64, scratch_operands = 0 : i64, tpu.core_type = #tpu.core_type<tc>, window_params = [{transform_indices = @transform_0, window_bounds = array<i64: 1024, 1024>}, {pipeline_mode = #tpu.pipeline_mode<synchronous>, transform_indices = @transform_1, window_bounds = array<i64: 2048, 1024>}, {pipeline_mode = #tpu.pipeline_mode<synchronous>, transform_indices = @transform_2, window_bounds = array<i64: 2048, 1024>}, {pipeline_mode = #tpu.pipeline_mode<synchronous>, transform_indices = @transform_3, window_bounds = array<i64: 128, 1024>}, {pipeline_mode = #tpu.pipeline_mode<synchronous>, transform_indices = @transform_4, window_bounds = array<i64: 128, 2048>}, {pipeline_mode = #tpu.pipeline_mode<synchronous>, transform_indices = @transform_5, window_bounds = array<i64: 1024, 2048>}, {pipeline_mode = #tpu.pipeline_mode<synchronous>, transform_indices = @transform_6, window_bounds = array<i64: 1, 2048>}, {pipeline_mode = #tpu.pipeline_mode<synchronous>, transform_indices = @transform_7, window_bounds = array<i64: 1, 2048>}, {pipeline_mode = #tpu.pipeline_mode<synchronous>, transform_indices = @transform_8, window_bounds = array<i64: 1, 128>}, {pipeline_mode = #tpu.pipeline_mode<synchronous>, transform_indices = @transform_9, window_bounds = array<i64: 1, 128>}, {pipeline_mode = #tpu.pipeline_mode<synchronous>, transform_indices = @transform_10, window_bounds = array<i64: 1, 128>}, {pipeline_mode = #tpu.pipeline_mode<synchronous>, transform_indices = @transform_11, window_bounds = array<i64: 1, 128>}, {pipeline_mode = #tpu.pipeline_mode<synchronous>, transform_indices = @transform_12, window_bounds = array<i64: 1, 1024>}, {transform_indices = @transform_13, window_bounds = array<i64: 1024, 1024>}, {transform_indices = @transform_14, window_bounds = array<i64: 1024, 128>}, {transform_indices = @transform_15, window_bounds = array<i64: 1024, 128>}, {transform_indices = @transform_16, window_bounds = array<i64: 1024, 128>}]} {
    %get3A = arith.constant 0 : index
    %get3A_0 = arith.constant 0 : index
    %get3A_1 = vector.load %arg1[%get3A, %get3A_0] : memref<1024x1024xf32, #tpu.memory_space<vmem>>, vector<1024x1024xf32>
    %convert_element_type3A = arith.truncf %get3A_1 : vector<1024x1024xf32> to vector<1024x1024xbf16>
    %get3A_2 = arith.constant 0 : index
    %get3A_3 = arith.constant 0 : index
    %get3A_4 = vector.load %arg2[%get3A_2, %get3A_3] : memref<2048x1024xbf16, #tpu.memory_space<vmem>>, vector<2048x1024xbf16>
    %dot_general3A = arith.constant dense<0.000000e+00> : vector<1024x2048xf32>
    %dot_general3A_5 = tpu.matmul %convert_element_type3A, %get3A_4, %dot_general3A {dimension_numbers = #tpu.dot_dimension_numbers<[1], [1], [0], [0], [0, 0, 1, 0], [], []>, transpose_lhs_hint = false} : vector<1024x1024xbf16>, vector<2048x1024xbf16>, vector<1024x2048xf32> -> vector<1024x2048xf32>
    %get3A_6 = arith.constant 0 : index
    %get3A_7 = arith.constant 0 : index
    %get3A_8 = vector.load %arg7[%get3A_6, %get3A_7] : memref<1x2048xf32, #tpu.memory_space<vmem>>, vector<1x2048xf32>
    %add3A = vector.broadcast %get3A_8 : vector<1x2048xf32> to vector<1024x2048xf32>
    %add3A_9 = arith.addf %dot_general3A_5, %add3A : vector<1024x2048xf32>
    %get3A_10 = arith.constant 0 : index
    %get3A_11 = arith.constant 0 : index
    %get3A_12 = vector.load %arg3[%get3A_10, %get3A_11] : memref<2048x1024xbf16, #tpu.memory_space<vmem>>, vector<2048x1024xbf16>
    %dot_general3A_13 = arith.constant dense<0.000000e+00> : vector<1024x2048xf32>
    %dot_general3A_14 = tpu.matmul %convert_element_type3A, %get3A_12, %dot_general3A_13 {dimension_numbers = #tpu.dot_dimension_numbers<[1], [1], [0], [0], [0, 0, 1, 0], [], []>, transpose_lhs_hint = false} : vector<1024x1024xbf16>, vector<2048x1024xbf16>, vector<1024x2048xf32> -> vector<1024x2048xf32>
    %get3A_15 = arith.constant 0 : index
    %get3A_16 = arith.constant 0 : index
    %get3A_17 = vector.load %arg8[%get3A_15, %get3A_16] : memref<1x2048xf32, #tpu.memory_space<vmem>>, vector<1x2048xf32>
    %add3A_18 = vector.broadcast %get3A_17 : vector<1x2048xf32> to vector<1024x2048xf32>
    %add3A_19 = arith.addf %dot_general3A_14, %add3A_18 : vector<1024x2048xf32>
    %logistic3A = arith.negf %add3A_19 : vector<1024x2048xf32>
    %logistic3A_20 = math.exp %logistic3A : vector<1024x2048xf32>
    %logistic3A_21 = arith.constant 1.000000e+00 : f32
    %logistic3A_22 = vector.broadcast %logistic3A_21 : f32 to vector<1024x2048xf32>
    %logistic3A_23 = arith.addf %logistic3A_22, %logistic3A_20 : vector<1024x2048xf32>
    %logistic3A_24 = arith.divf %logistic3A_22, %logistic3A_23 : vector<1024x2048xf32>
    %mul3A = arith.mulf %add3A_19, %logistic3A_24 : vector<1024x2048xf32>
    %mul3A_25 = arith.mulf %mul3A, %add3A_9 : vector<1024x2048xf32>
    %convert_element_type3A_26 = arith.truncf %mul3A_25 : vector<1024x2048xf32> to vector<1024x2048xbf16>
    %get3A_27 = arith.constant 0 : index
    %get3A_28 = arith.constant 0 : index
    %get3A_29 = vector.load %arg4[%get3A_27, %get3A_28] : memref<128x1024xbf16, #tpu.memory_space<vmem>>, vector<128x1024xbf16>
    %dot_general3A_30 = arith.constant dense<0.000000e+00> : vector<1024x128xf32>
    %dot_general3A_31 = tpu.matmul %convert_element_type3A, %get3A_29, %dot_general3A_30 {dimension_numbers = #tpu.dot_dimension_numbers<[1], [1], [0], [0], [0, 0, 1, 0], [], []>, transpose_lhs_hint = false} : vector<1024x1024xbf16>, vector<128x1024xbf16>, vector<1024x128xf32> -> vector<1024x128xf32>
    %get3A_32 = arith.constant 0 : index
    %get3A_33 = arith.constant 0 : index
    %get3A_34 = vector.load %arg11[%get3A_32, %get3A_33] : memref<1x128xf32, #tpu.memory_space<vmem>>, vector<1x128xf32>
    %get3A_35 = arith.constant 0 : index
    %get3A_36 = arith.constant 0 : index
    %get3A_37 = vector.load %arg12[%get3A_35, %get3A_36] : memref<1x128xf32, #tpu.memory_space<vmem>>, vector<1x128xf32>
    %get3A_38 = arith.constant 0 : index
    %get3A_39 = arith.constant 0 : index
    %get3A_40 = vector.load %arg9[%get3A_38, %get3A_39] : memref<1x128xf32, #tpu.memory_space<vmem>>, vector<1x128xf32>
    %add3A_41 = vector.broadcast %get3A_40 : vector<1x128xf32> to vector<1024x128xf32>
    %add3A_42 = arith.addf %dot_general3A_31, %add3A_41 : vector<1024x128xf32>
    %reduce_sum3A = arith.constant dense<0.000000e+00> : vector<1024xf32>
    %reduce_sum3A_43 = vector.multi_reduction <add>, %add3A_42, %reduce_sum3A [1] : vector<1024x128xf32> to vector<1024xf32>
    %broadcast_in_dim3A = vector.shape_cast %reduce_sum3A_43 : vector<1024xf32> to vector<1024x1xf32>
    %div3A = arith.constant 1.280000e+02 : f32
    %div3A_44 = vector.broadcast %div3A : f32 to vector<1024x1xf32>
    %div3A_45 = arith.divf %broadcast_in_dim3A, %div3A_44 : vector<1024x1xf32>
    %sub3A = vector.broadcast %div3A_45 : vector<1024x1xf32> to vector<1024x128xf32>
    %sub3A_46 = arith.subf %add3A_42, %sub3A : vector<1024x128xf32>
    %sub3A_47 = vector.broadcast %div3A_45 : vector<1024x1xf32> to vector<1024x128xf32>
    %sub3A_48 = arith.subf %add3A_42, %sub3A_47 : vector<1024x128xf32>
    %mul3A_49 = arith.mulf %sub3A_46, %sub3A_48 : vector<1024x128xf32>
    %reduce_sum3A_50 = arith.constant dense<0.000000e+00> : vector<1024xf32>
    %reduce_sum3A_51 = vector.multi_reduction <add>, %mul3A_49, %reduce_sum3A_50 [1] : vector<1024x128xf32> to vector<1024xf32>
    %broadcast_in_dim3A_52 = vector.shape_cast %reduce_sum3A_51 : vector<1024xf32> to vector<1024x1xf32>
    %div3A_53 = arith.constant 1.280000e+02 : f32
    %div3A_54 = vector.broadcast %div3A_53 : f32 to vector<1024x1xf32>
    %div3A_55 = arith.divf %broadcast_in_dim3A_52, %div3A_54 : vector<1024x1xf32>
    %sub3A_56 = vector.broadcast %div3A_45 : vector<1024x1xf32> to vector<1024x128xf32>
    %sub3A_57 = arith.subf %add3A_42, %sub3A_56 : vector<1024x128xf32>
    %add3A_58 = arith.constant 9.99999974E-6 : f32
    %add3A_59 = vector.broadcast %add3A_58 : f32 to vector<1024x1xf32>
    %add3A_60 = arith.addf %div3A_55, %add3A_59 : vector<1024x1xf32>
    %rsqrt3A = math.rsqrt %add3A_60 : vector<1024x1xf32>
    %mul3A_61 = vector.broadcast %rsqrt3A : vector<1024x1xf32> to vector<1024x128xf32>
    %mul3A_62 = arith.mulf %sub3A_57, %mul3A_61 : vector<1024x128xf32>
    %mul3A_63 = vector.broadcast %get3A_34 : vector<1x128xf32> to vector<1024x128xf32>
    %mul3A_64 = arith.mulf %mul3A_62, %mul3A_63 : vector<1024x128xf32>
    %add3A_65 = vector.broadcast %get3A_37 : vector<1x128xf32> to vector<1024x128xf32>
    %add3A_66 = arith.addf %mul3A_64, %add3A_65 : vector<1024x128xf32>
    %reduce_sum3A_67 = arith.constant dense<0.000000e+00> : vector<1024xf32>
    %reduce_sum3A_68 = vector.multi_reduction <add>, %dot_general3A_31, %reduce_sum3A_67 [1] : vector<1024x128xf32> to vector<1024xf32>
    %broadcast_in_dim3A_69 = vector.shape_cast %reduce_sum3A_68 : vector<1024xf32> to vector<1024x1xf32>
    %div3A_70 = arith.constant 1.280000e+02 : f32
    %div3A_71 = vector.broadcast %div3A_70 : f32 to vector<1024x1xf32>
    %div3A_72 = arith.divf %broadcast_in_dim3A_69, %div3A_71 : vector<1024x1xf32>
    %sub3A_73 = vector.broadcast %div3A_72 : vector<1024x1xf32> to vector<1024x128xf32>
    %sub3A_74 = arith.subf %dot_general3A_31, %sub3A_73 : vector<1024x128xf32>
    %sub3A_75 = vector.broadcast %div3A_72 : vector<1024x1xf32> to vector<1024x128xf32>
    %sub3A_76 = arith.subf %dot_general3A_31, %sub3A_75 : vector<1024x128xf32>
    %mul3A_77 = arith.mulf %sub3A_74, %sub3A_76 : vector<1024x128xf32>
    %reduce_sum3A_78 = arith.constant dense<0.000000e+00> : vector<1024xf32>
    %reduce_sum3A_79 = vector.multi_reduction <add>, %mul3A_77, %reduce_sum3A_78 [1] : vector<1024x128xf32> to vector<1024xf32>
    %broadcast_in_dim3A_80 = vector.shape_cast %reduce_sum3A_79 : vector<1024xf32> to vector<1024x1xf32>
    %div3A_81 = arith.constant 1.280000e+02 : f32
    %div3A_82 = vector.broadcast %div3A_81 : f32 to vector<1024x1xf32>
    %div3A_83 = arith.divf %broadcast_in_dim3A_80, %div3A_82 : vector<1024x1xf32>
    %sub3A_84 = vector.broadcast %div3A_72 : vector<1024x1xf32> to vector<1024x128xf32>
    %sub3A_85 = arith.subf %dot_general3A_31, %sub3A_84 : vector<1024x128xf32>
    %add3A_86 = arith.constant 9.99999974E-6 : f32
    %add3A_87 = vector.broadcast %add3A_86 : f32 to vector<1024x1xf32>
    %add3A_88 = arith.addf %div3A_83, %add3A_87 : vector<1024x1xf32>
    %rsqrt3A_89 = math.rsqrt %add3A_88 : vector<1024x1xf32>
    %mul3A_90 = vector.broadcast %rsqrt3A_89 : vector<1024x1xf32> to vector<1024x128xf32>
    %mul3A_91 = arith.mulf %sub3A_85, %mul3A_90 : vector<1024x128xf32>
    %mul3A_92 = vector.broadcast %get3A_34 : vector<1x128xf32> to vector<1024x128xf32>
    %mul3A_93 = arith.mulf %mul3A_91, %mul3A_92 : vector<1024x128xf32>
    %add3A_94 = vector.broadcast %get3A_37 : vector<1x128xf32> to vector<1024x128xf32>
    %add3A_95 = arith.addf %mul3A_93, %add3A_94 : vector<1024x128xf32>
    %get3A_96 = arith.constant 0 : index
    %get3A_97 = arith.constant 0 : index
    %get3A_98 = vector.load %arg5[%get3A_96, %get3A_97] : memref<128x2048xbf16, #tpu.memory_space<vmem>>, vector<128x2048xbf16>
    %dot_general3A_99 = arith.constant dense<0.000000e+00> : vector<1024x128xf32>
    %dot_general3A_100 = tpu.matmul %convert_element_type3A_26, %get3A_98, %dot_general3A_99 {dimension_numbers = #tpu.dot_dimension_numbers<[1], [1], [0], [0], [0, 0, 1, 0], [], []>, transpose_lhs_hint = false} : vector<1024x2048xbf16>, vector<128x2048xbf16>, vector<1024x128xf32> -> vector<1024x128xf32>
    %get3A_101 = arith.constant 0 : index
    %get3A_102 = arith.constant 0 : index
    %get3A_103 = vector.load %arg10[%get3A_101, %get3A_102] : memref<1x128xf32, #tpu.memory_space<vmem>>, vector<1x128xf32>
    %add3A_104 = vector.broadcast %get3A_103 : vector<1x128xf32> to vector<1024x128xf32>
    %add3A_105 = arith.addf %dot_general3A_100, %add3A_104 : vector<1024x128xf32>
    %reduce_sum3A_106 = arith.constant dense<0.000000e+00> : vector<1024xf32>
    %reduce_sum3A_107 = vector.multi_reduction <add>, %add3A_105, %reduce_sum3A_106 [1] : vector<1024x128xf32> to vector<1024xf32>
    %broadcast_in_dim3A_108 = vector.shape_cast %reduce_sum3A_107 : vector<1024xf32> to vector<1024x1xf32>
    %div3A_109 = arith.constant 1.280000e+02 : f32
    %div3A_110 = vector.broadcast %div3A_109 : f32 to vector<1024x1xf32>
    %div3A_111 = arith.divf %broadcast_in_dim3A_108, %div3A_110 : vector<1024x1xf32>
    %sub3A_112 = vector.broadcast %div3A_111 : vector<1024x1xf32> to vector<1024x128xf32>
    %sub3A_113 = arith.subf %add3A_105, %sub3A_112 : vector<1024x128xf32>
    %sub3A_114 = vector.broadcast %div3A_111 : vector<1024x1xf32> to vector<1024x128xf32>
    %sub3A_115 = arith.subf %add3A_105, %sub3A_114 : vector<1024x128xf32>
    %mul3A_116 = arith.mulf %sub3A_113, %sub3A_115 : vector<1024x128xf32>
    %reduce_sum3A_117 = arith.constant dense<0.000000e+00> : vector<1024xf32>
    %reduce_sum3A_118 = vector.multi_reduction <add>, %mul3A_116, %reduce_sum3A_117 [1] : vector<1024x128xf32> to vector<1024xf32>
    %broadcast_in_dim3A_119 = vector.shape_cast %reduce_sum3A_118 : vector<1024xf32> to vector<1024x1xf32>
    %div3A_120 = arith.constant 1.280000e+02 : f32
    %div3A_121 = vector.broadcast %div3A_120 : f32 to vector<1024x1xf32>
    %div3A_122 = arith.divf %broadcast_in_dim3A_119, %div3A_121 : vector<1024x1xf32>
    %sub3A_123 = vector.broadcast %div3A_111 : vector<1024x1xf32> to vector<1024x128xf32>
    %sub3A_124 = arith.subf %add3A_105, %sub3A_123 : vector<1024x128xf32>
    %add3A_125 = arith.constant 9.99999974E-6 : f32
    %add3A_126 = vector.broadcast %add3A_125 : f32 to vector<1024x1xf32>
    %add3A_127 = arith.addf %div3A_122, %add3A_126 : vector<1024x1xf32>
    %rsqrt3A_128 = math.rsqrt %add3A_127 : vector<1024x1xf32>
    %mul3A_129 = vector.broadcast %rsqrt3A_128 : vector<1024x1xf32> to vector<1024x128xf32>
    %mul3A_130 = arith.mulf %sub3A_124, %mul3A_129 : vector<1024x128xf32>
    %mul3A_131 = vector.broadcast %get3A_34 : vector<1x128xf32> to vector<1024x128xf32>
    %mul3A_132 = arith.mulf %mul3A_130, %mul3A_131 : vector<1024x128xf32>
    %add3A_133 = vector.broadcast %get3A_37 : vector<1x128xf32> to vector<1024x128xf32>
    %add3A_134 = arith.addf %mul3A_132, %add3A_133 : vector<1024x128xf32>
    %convert_element_type3A_135 = arith.truncf %add3A_66 : vector<1024x128xf32> to vector<1024x128xbf16>
    %swap3A = arith.constant 0 : index
    %swap3A_136 = arith.constant 0 : index
    %swap3A_137 = vector.load %arg15[%swap3A, %swap3A_136] : memref<1024x128xbf16, #tpu.memory_space<vmem>>, vector<1024x128xbf16>
    tpu.vector_store %arg15[%swap3A, %swap3A_136], %convert_element_type3A_135 {strides = array<i32>} : memref<1024x128xbf16, #tpu.memory_space<vmem>>, vector<1024x128xbf16>,
    %convert_element_type3A_138 = arith.truncf %add3A_134 : vector<1024x128xf32> to vector<1024x128xbf16>
    %swap3A_139 = arith.constant 0 : index
    %swap3A_140 = arith.constant 0 : index
    %swap3A_141 = vector.load %arg16[%swap3A_139, %swap3A_140] : memref<1024x128xbf16, #tpu.memory_space<vmem>>, vector<1024x128xbf16>
    tpu.vector_store %arg16[%swap3A_139, %swap3A_140], %convert_element_type3A_138 {strides = array<i32>} : memref<1024x128xbf16, #tpu.memory_space<vmem>>, vector<1024x128xbf16>,
    %convert_element_type3A_142 = arith.truncf %add3A_95 : vector<1024x128xf32> to vector<1024x128xbf16>
    %swap3A_143 = arith.constant 0 : index
    %swap3A_144 = arith.constant 0 : index
    %swap3A_145 = vector.load %arg17[%swap3A_143, %swap3A_144] : memref<1024x128xbf16, #tpu.memory_space<vmem>>, vector<1024x128xbf16>
    tpu.vector_store %arg17[%swap3A_143, %swap3A_144], %convert_element_type3A_142 {strides = array<i32>} : memref<1024x128xbf16, #tpu.memory_space<vmem>>, vector<1024x128xbf16>,
    %get3A_146 = arith.constant 0 : index
    %get3A_147 = arith.constant 0 : index
    %get3A_148 = vector.load %arg13[%get3A_146, %get3A_147] : memref<1x1024xf32, #tpu.memory_space<vmem>>, vector<1x1024xf32>
    %add3A_149 = vector.broadcast %get3A_148 : vector<1x1024xf32> to vector<1024x1024xf32>
    %add3A_150 = arith.addf %get3A_1, %add3A_149 : vector<1024x1024xf32>
    %get3A_151 = arith.constant 0 : index
    %get3A_152 = arith.constant 0 : index
    %get3A_153 = vector.load %arg6[%get3A_151, %get3A_152] : memref<1024x2048xbf16, #tpu.memory_space<vmem>>, vector<1024x2048xbf16>
    %dot_general3A_154 = arith.constant dense<0.000000e+00> : vector<1024x1024xf32>
    %dot_general3A_155 = tpu.matmul %convert_element_type3A_26, %get3A_153, %dot_general3A_154 {dimension_numbers = #tpu.dot_dimension_numbers<[1], [1], [0], [0], [0, 0, 1, 0], [], []>, transpose_lhs_hint = false} : vector<1024x2048xbf16>, vector<1024x2048xbf16>, vector<1024x1024xf32> -> vector<1024x1024xf32>
    %add3A_156 = arith.addf %add3A_150, %dot_general3A_155 : vector<1024x1024xf32>
    %convert_element_type3A_157 = arith.truncf %add3A_156 : vector<1024x1024xf32> to vector<1024x1024xbf16>
    %swap3A_158 = arith.constant 0 : index
    %swap3A_159 = arith.constant 0 : index
    %swap3A_160 = vector.load %arg14[%swap3A_158, %swap3A_159] : memref<1024x1024xbf16, #tpu.memory_space<vmem>>, vector<1024x1024xbf16>
    tpu.vector_store %arg14[%swap3A_158, %swap3A_159], %convert_element_type3A_157 {strides = array<i32>} : memref<1024x1024xbf16, #tpu.memory_space<vmem>>, vector<1024x1024xbf16>,
    return
  }
  func.func @transform_0(%arg0: i32) -> (i32, i32) {
    %c0_i32 = arith.constant 0 : i32
    %c0_i32_0 = arith.constant 0 : i32
    return %arg0, %c0_i32 : i32, i32
  }
  func.func @transform_1(%arg0: i32) -> (i32, i32) {
    %c0_i32 = arith.constant 0 : i32
    %c0_i32_0 = arith.constant 0 : i32
    %c0_i32_1 = arith.constant 0 : i32
    return %c0_i32, %c0_i32_0 : i32, i32
  }
  func.func @transform_2(%arg0: i32) -> (i32, i32) {
    %c0_i32 = arith.constant 0 : i32
    %c0_i32_0 = arith.constant 0 : i32
    %c0_i32_1 = arith.constant 0 : i32
    return %c0_i32, %c0_i32_0 : i32, i32
  }
  func.func @transform_3(%arg0: i32) -> (i32, i32) {
    %c0_i32 = arith.constant 0 : i32
    %c0_i32_0 = arith.constant 0 : i32
    %c0_i32_1 = arith.constant 0 : i32
    return %c0_i32, %c0_i32_0 : i32, i32
  }
  func.func @transform_4(%arg0: i32) -> (i32, i32) {
    %c0_i32 = arith.constant 0 : i32
    %c0_i32_0 = arith.constant 0 : i32
    %c0_i32_1 = arith.constant 0 : i32
    return %c0_i32, %c0_i32_0 : i32, i32
  }
  func.func @transform_5(%arg0: i32) -> (i32, i32) {
    %c0_i32 = arith.constant 0 : i32
    %c0_i32_0 = arith.constant 0 : i32
    %c0_i32_1 = arith.constant 0 : i32
    return %c0_i32, %c0_i32_0 : i32, i32
  }
  func.func @transform_6(%arg0: i32) -> (i32, i32) {
    %c0_i32 = arith.constant 0 : i32
    %c0_i32_0 = arith.constant 0 : i32
    %c0_i32_1 = arith.constant 0 : i32
    return %c0_i32, %c0_i32_0 : i32, i32
  }
  func.func @transform_7(%arg0: i32) -> (i32, i32) {
    %c0_i32 = arith.constant 0 : i32
    %c0_i32_0 = arith.constant 0 : i32
    %c0_i32_1 = arith.constant 0 : i32
    return %c0_i32, %c0_i32_0 : i32, i32
  }
  func.func @transform_8(%arg0: i32) -> (i32, i32) {
    %c0_i32 = arith.constant 0 : i32
    %c0_i32_0 = arith.constant 0 : i32
    %c0_i32_1 = arith.constant 0 : i32
    return %c0_i32, %c0_i32_0 : i32, i32
  }
  func.func @transform_9(%arg0: i32) -> (i32, i32) {
    %c0_i32 = arith.constant 0 : i32
    %c0_i32_0 = arith.constant 0 : i32
    %c0_i32_1 = arith.constant 0 : i32
    return %c0_i32, %c0_i32_0 : i32, i32
  }
  func.func @transform_10(%arg0: i32) -> (i32, i32) {
    %c0_i32 = arith.constant 0 : i32
    %c0_i32_0 = arith.constant 0 : i32
    %c0_i32_1 = arith.constant 0 : i32
    return %c0_i32, %c0_i32_0 : i32, i32
  }
  func.func @transform_11(%arg0: i32) -> (i32, i32) {
    %c0_i32 = arith.constant 0 : i32
    %c0_i32_0 = arith.constant 0 : i32
    %c0_i32_1 = arith.constant 0 : i32
    return %c0_i32, %c0_i32_0 : i32, i32
  }
  func.func @transform_12(%arg0: i32) -> (i32, i32) {
    %c0_i32 = arith.constant 0 : i32
    %c0_i32_0 = arith.constant 0 : i32
    %c0_i32_1 = arith.constant 0 : i32
    return %c0_i32, %c0_i32_0 : i32, i32
  }
  func.func @transform_13(%arg0: i32) -> (i32, i32) {
    %c0_i32 = arith.constant 0 : i32
    %c0_i32_0 = arith.constant 0 : i32
    return %arg0, %c0_i32 : i32, i32
  }
  func.func @transform_14(%arg0: i32) -> (i32, i32) {
    %c0_i32 = arith.constant 0 : i32
    %c0_i32_0 = arith.constant 0 : i32
    return %arg0, %c0_i32 : i32, i32
  }
  func.func @transform_15(%arg0: i32) -> (i32, i32) {
    %c0_i32 = arith.constant 0 : i32
    %c0_i32_0 = arith.constant 0 : i32
    return %arg0, %c0_i32 : i32, i32
  }
  func.func @transform_16(%arg0: i32) -> (i32, i32) {
    %c0_i32 = arith.constant 0 : i32
    %c0_i32_0 = arith.constant 0 : i32
    return %arg0, %c0_i32 : i32, i32
  }
}

module attributes {stable_mosaic.version = 14 : i64} {
  func.func @_prep_kernel(%arg0: i32, %arg1: memref<512x1024xf32, #tpu.memory_space<vmem>>, %arg2: memref<512x1024xf32, #tpu.memory_space<vmem>>, %arg3: memref<256x2048xf32, #tpu.memory_space<vmem>>, %arg4: memref<128x1024xf32, #tpu.memory_space<vmem>>, %arg5: memref<128x2048xf32, #tpu.memory_space<vmem>>, %arg6: memref<2048x128xf32, #tpu.memory_space<vmem>>, %arg7: memref<8x128x128xf32, #tpu.memory_space<vmem>>, %arg8: memref<256x2048xf32, #tpu.memory_space<vmem>>, %arg9: memref<2048x128xf32, #tpu.memory_space<vmem>>, %arg10: memref<1024x1024xf32, #tpu.memory_space<vmem>>, %arg11: memref<8x1024xf32, #tpu.memory_space<vmem>>, %arg12: memref<8x1xf32, #tpu.memory_space<vmem>>, %arg13: memref<8x1xf32, #tpu.memory_space<vmem>>, %arg14: memref<1x1xf32, #tpu.memory_space<vmem>>, %arg15: memref<512x1024xbf16, #tpu.memory_space<vmem>>, %arg16: memref<512x1024xbf16, #tpu.memory_space<vmem>>, %arg17: memref<256x2048xbf16, #tpu.memory_space<vmem>>, %arg18: memref<128x1024xbf16, #tpu.memory_space<vmem>>, %arg19: memref<128x2048xbf16, #tpu.memory_space<vmem>>, %arg20: memref<128x1024xbf16, #tpu.memory_space<vmem>>, %arg21: memref<256x128xbf16, #tpu.memory_space<vmem>>, %arg22: memref<256x128xbf16, #tpu.memory_space<vmem>>, %arg23: memref<8x1024xf32, #tpu.memory_space<vmem>>, %arg24: memref<1x8x128xf32, #tpu.memory_space<vmem>>) attributes {dimension_semantics = [#tpu.dimension_semantics<arbitrary>], iteration_bounds = array<i64: 4>, scalar_prefetch = 0 : i64, scratch_operands = 0 : i64, tpu.core_type = #tpu.core_type<tc>, window_params = [{transform_indices = @transform_0, window_bounds = array<i64: 512, 1024>}, {transform_indices = @transform_1, window_bounds = array<i64: 512, 1024>}, {transform_indices = @transform_2, window_bounds = array<i64: 256, 2048>}, {pipeline_mode = #tpu.pipeline_mode<synchronous>, transform_indices = @transform_3, window_bounds = array<i64: 128, 1024>}, {pipeline_mode = #tpu.pipeline_mode<synchronous>, transform_indices = @transform_4, window_bounds = array<i64: 128, 2048>}, {pipeline_mode = #tpu.pipeline_mode<synchronous>, transform_indices = @transform_5, window_bounds = array<i64: 2048, 128>}, {pipeline_mode = #tpu.pipeline_mode<synchronous>, transform_indices = @transform_6, window_bounds = array<i64: 8, 128, 128>}, {transform_indices = @transform_7, window_bounds = array<i64: 256, 2048>}, {pipeline_mode = #tpu.pipeline_mode<synchronous>, transform_indices = @transform_8, window_bounds = array<i64: 2048, 128>}, {transform_indices = @transform_9, window_bounds = array<i64: 1024, 1024>}, {pipeline_mode = #tpu.pipeline_mode<synchronous>, transform_indices = @transform_10, window_bounds = array<i64: 8, 1024>}, {pipeline_mode = #tpu.pipeline_mode<synchronous>, transform_indices = @transform_11, window_bounds = array<i64: 8, 1>}, {pipeline_mode = #tpu.pipeline_mode<synchronous>, transform_indices = @transform_12, window_bounds = array<i64: 8, 1>}, {pipeline_mode = #tpu.pipeline_mode<synchronous>, transform_indices = @transform_13, window_bounds = array<i64: 1, 1>}, {transform_indices = @transform_14, window_bounds = array<i64: 512, 1024>}, {transform_indices = @transform_15, window_bounds = array<i64: 512, 1024>}, {transform_indices = @transform_16, window_bounds = array<i64: 256, 2048>}, {pipeline_mode = #tpu.pipeline_mode<synchronous>, transform_indices = @transform_17, window_bounds = array<i64: 128, 1024>}, {pipeline_mode = #tpu.pipeline_mode<synchronous>, transform_indices = @transform_18, window_bounds = array<i64: 128, 2048>}, {pipeline_mode = #tpu.pipeline_mode<synchronous>, transform_indices = @transform_19, window_bounds = array<i64: 128, 1024>}, {transform_indices = @transform_20, window_bounds = array<i64: 256, 128>}, {transform_indices = @transform_21, window_bounds = array<i64: 256, 128>}, {transform_indices = @transform_22, window_bounds = array<i64: 8, 1024>}, {transform_indices = @transform_23, window_bounds = array<i64: 1, 8, 128>}]} {
    %get3A = arith.constant 0 : index
    %get3A_0 = arith.constant 0 : index
    %get3A_1 = vector.load %arg1[%get3A, %get3A_0] : memref<512x1024xf32, #tpu.memory_space<vmem>>, vector<512x1024xf32>
    %convert_element_type3A = arith.truncf %get3A_1 : vector<512x1024xf32> to vector<512x1024xbf16>
    %swap3A = arith.constant 0 : index
    %swap3A_2 = arith.constant 0 : index
    %swap3A_3 = vector.load %arg15[%swap3A, %swap3A_2] : memref<512x1024xbf16, #tpu.memory_space<vmem>>, vector<512x1024xbf16>
    tpu.vector_store %arg15[%swap3A, %swap3A_2], %convert_element_type3A {strides = array<i32>} : memref<512x1024xbf16, #tpu.memory_space<vmem>>, vector<512x1024xbf16>,
    %get3A_4 = arith.constant 0 : index
    %get3A_5 = arith.constant 0 : index
    %get3A_6 = vector.load %arg2[%get3A_4, %get3A_5] : memref<512x1024xf32, #tpu.memory_space<vmem>>, vector<512x1024xf32>
    %convert_element_type3A_7 = arith.truncf %get3A_6 : vector<512x1024xf32> to vector<512x1024xbf16>
    %swap3A_8 = arith.constant 0 : index
    %swap3A_9 = arith.constant 0 : index
    %swap3A_10 = vector.load %arg16[%swap3A_8, %swap3A_9] : memref<512x1024xbf16, #tpu.memory_space<vmem>>, vector<512x1024xbf16>
    tpu.vector_store %arg16[%swap3A_8, %swap3A_9], %convert_element_type3A_7 {strides = array<i32>} : memref<512x1024xbf16, #tpu.memory_space<vmem>>, vector<512x1024xbf16>,
    %get3A_11 = arith.constant 0 : index
    %get3A_12 = arith.constant 0 : index
    %get3A_13 = vector.load %arg3[%get3A_11, %get3A_12] : memref<256x2048xf32, #tpu.memory_space<vmem>>, vector<256x2048xf32>
    %convert_element_type3A_14 = arith.truncf %get3A_13 : vector<256x2048xf32> to vector<256x2048xbf16>
    %swap3A_15 = arith.constant 0 : index
    %swap3A_16 = arith.constant 0 : index
    %swap3A_17 = vector.load %arg17[%swap3A_15, %swap3A_16] : memref<256x2048xbf16, #tpu.memory_space<vmem>>, vector<256x2048xbf16>
    tpu.vector_store %arg17[%swap3A_15, %swap3A_16], %convert_element_type3A_14 {strides = array<i32>} : memref<256x2048xbf16, #tpu.memory_space<vmem>>, vector<256x2048xbf16>,
    %get3A_18 = arith.constant 0 : index
    %get3A_19 = arith.constant 0 : index
    %get3A_20 = vector.load %arg6[%get3A_18, %get3A_19] : memref<2048x128xf32, #tpu.memory_space<vmem>>, vector<2048x128xf32>
    %convert_element_type3A_21 = arith.truncf %get3A_20 : vector<2048x128xf32> to vector<2048x128xbf16>
    %dot_general3A = arith.constant dense<0.000000e+00> : vector<256x128xf32>
    %dot_general3A_22 = tpu.matmul %convert_element_type3A_14, %convert_element_type3A_21, %dot_general3A {dimension_numbers = #tpu.dot_dimension_numbers<[1], [0], [0], [1], [0, 0, 1, 1], [], []>, transpose_lhs_hint = false} : vector<256x2048xbf16>, vector<2048x128xbf16>, vector<256x128xf32> -> vector<256x128xf32>
    %mul3A = arith.constant 1.000000e-01 : f32
    %mul3A_23 = vector.broadcast %mul3A : f32 to vector<256x128xf32>
    %mul3A_24 = arith.mulf %mul3A_23, %dot_general3A_22 : vector<256x128xf32>
    %convert_element_type3A_25 = arith.truncf %mul3A_24 : vector<256x128xf32> to vector<256x128xbf16>
    %swap3A_26 = arith.constant 0 : index
    %swap3A_27 = arith.constant 0 : index
    %swap3A_28 = vector.load %arg21[%swap3A_26, %swap3A_27] : memref<256x128xbf16, #tpu.memory_space<vmem>>, vector<256x128xbf16>
    tpu.vector_store %arg21[%swap3A_26, %swap3A_27], %convert_element_type3A_25 {strides = array<i32>} : memref<256x128xbf16, #tpu.memory_space<vmem>>, vector<256x128xbf16>,
    %get3A_29 = arith.constant 0 : index
    %get3A_30 = arith.constant 0 : index
    %get3A_31 = vector.load %arg8[%get3A_29, %get3A_30] : memref<256x2048xf32, #tpu.memory_space<vmem>>, vector<256x2048xf32>
    %convert_element_type3A_32 = arith.truncf %get3A_31 : vector<256x2048xf32> to vector<256x2048xbf16>
    %get3A_33 = arith.constant 0 : index
    %get3A_34 = arith.constant 0 : index
    %get3A_35 = vector.load %arg9[%get3A_33, %get3A_34] : memref<2048x128xf32, #tpu.memory_space<vmem>>, vector<2048x128xf32>
    %convert_element_type3A_36 = arith.truncf %get3A_35 : vector<2048x128xf32> to vector<2048x128xbf16>
    %dot_general3A_37 = arith.constant dense<0.000000e+00> : vector<256x128xf32>
    %dot_general3A_38 = tpu.matmul %convert_element_type3A_32, %convert_element_type3A_36, %dot_general3A_37 {dimension_numbers = #tpu.dot_dimension_numbers<[1], [0], [0], [1], [0, 0, 1, 1], [], []>, transpose_lhs_hint = false} : vector<256x2048xbf16>, vector<2048x128xbf16>, vector<256x128xf32> -> vector<256x128xf32>
    %convert_element_type3A_39 = arith.truncf %dot_general3A_38 : vector<256x128xf32> to vector<256x128xbf16>
    %swap3A_40 = arith.constant 0 : index
    %swap3A_41 = arith.constant 0 : index
    %swap3A_42 = vector.load %arg22[%swap3A_40, %swap3A_41] : memref<256x128xbf16, #tpu.memory_space<vmem>>, vector<256x128xbf16>
    tpu.vector_store %arg22[%swap3A_40, %swap3A_41], %convert_element_type3A_39 {strides = array<i32>} : memref<256x128xbf16, #tpu.memory_space<vmem>>, vector<256x128xbf16>,
    %eq3A = arith.constant 0 : i32
    %eq3A_43 = arith.cmpi eq, %arg0, %eq3A : i32
    %convert_element_type3A_44 = arith.extui %eq3A_43 : i1 to i32
    %cond3A = arith.constant 0 : i32
    %cond3A_45 = arith.cmpi ne, %convert_element_type3A_44, %cond3A : i32
    scf.if %cond3A_45 {
      %get3A_157 = arith.constant 0 : index
      %get3A_158 = arith.constant 0 : index
      %get3A_159 = vector.load %arg4[%get3A_157, %get3A_158] : memref<128x1024xf32, #tpu.memory_space<vmem>>, vector<128x1024xf32>
      %convert_element_type3A_160 = arith.truncf %get3A_159 : vector<128x1024xf32> to vector<128x1024xbf16>
      %swap3A_161 = arith.constant 0 : index
      %swap3A_162 = arith.constant 0 : index
      %swap3A_163 = vector.load %arg18[%swap3A_161, %swap3A_162] : memref<128x1024xbf16, #tpu.memory_space<vmem>>, vector<128x1024xbf16>
      tpu.vector_store %arg18[%swap3A_161, %swap3A_162], %convert_element_type3A_160 {strides = array<i32>} : memref<128x1024xbf16, #tpu.memory_space<vmem>>, vector<128x1024xbf16>,
      %get3A_164 = arith.constant 0 : index
      %get3A_165 = arith.constant 0 : index
      %get3A_166 = vector.load %arg5[%get3A_164, %get3A_165] : memref<128x2048xf32, #tpu.memory_space<vmem>>, vector<128x2048xf32>
      %convert_element_type3A_167 = arith.truncf %get3A_166 : vector<128x2048xf32> to vector<128x2048xbf16>
      %swap3A_168 = arith.constant 0 : index
      %swap3A_169 = arith.constant 0 : index
      %swap3A_170 = vector.load %arg19[%swap3A_168, %swap3A_169] : memref<128x2048xbf16, #tpu.memory_space<vmem>>, vector<128x2048xbf16>
      tpu.vector_store %arg19[%swap3A_168, %swap3A_169], %convert_element_type3A_167 {strides = array<i32>} : memref<128x2048xbf16, #tpu.memory_space<vmem>>, vector<128x2048xbf16>,
      %get3A_171 = arith.constant 0 : index
      %get3A_172 = arith.constant 0 : index
      %get3A_173 = arith.constant 0 : index
      %get3A_174 = vector.load %arg7[%get3A_171, %get3A_172, %get3A_173] : memref<8x128x128xf32, #tpu.memory_space<vmem>>, vector<1x128x128xf32>
      %get3A_175 = vector.shape_cast %get3A_174 : vector<1x128x128xf32> to vector<128x128xf32>
      %transpose3A = tpu.transpose %get3A_175, [1, 0] : vector<128x128xf32> -> vector<128x128xf32>
      %convert_element_type3A_176 = arith.truncf %transpose3A : vector<128x128xf32> to vector<128x128xbf16>
      %swap3A_177 = arith.constant 0 : index
      %swap3A_178 = arith.constant 0 : index
      %swap3A_179 = vector.load %arg20[%swap3A_177, %swap3A_178] : memref<128x1024xbf16, #tpu.memory_space<vmem>>, vector<128x128xbf16>
      tpu.vector_store %arg20[%swap3A_177, %swap3A_178], %convert_element_type3A_176 {strides = array<i32>} : memref<128x1024xbf16, #tpu.memory_space<vmem>>, vector<128x128xbf16>,
      %get3A_180 = arith.constant 1 : index
      %get3A_181 = arith.constant 0 : index
      %get3A_182 = arith.constant 0 : index
      %get3A_183 = vector.load %arg7[%get3A_180, %get3A_181, %get3A_182] : memref<8x128x128xf32, #tpu.memory_space<vmem>>, vector<1x128x128xf32>
      %get3A_184 = vector.shape_cast %get3A_183 : vector<1x128x128xf32> to vector<128x128xf32>
      %transpose3A_185 = tpu.transpose %get3A_184, [1, 0] : vector<128x128xf32> -> vector<128x128xf32>
      %convert_element_type3A_186 = arith.truncf %transpose3A_185 : vector<128x128xf32> to vector<128x128xbf16>
      %swap3A_187 = arith.constant 0 : index
      %swap3A_188 = arith.constant 128 : index
      %swap3A_189 = vector.load %arg20[%swap3A_187, %swap3A_188] : memref<128x1024xbf16, #tpu.memory_space<vmem>>, vector<128x128xbf16>
      tpu.vector_store %arg20[%swap3A_187, %swap3A_188], %convert_element_type3A_186 {strides = array<i32>} : memref<128x1024xbf16, #tpu.memory_space<vmem>>, vector<128x128xbf16>,
      %get3A_190 = arith.constant 2 : index
      %get3A_191 = arith.constant 0 : index
      %get3A_192 = arith.constant 0 : index
      %get3A_193 = vector.load %arg7[%get3A_190, %get3A_191, %get3A_192] : memref<8x128x128xf32, #tpu.memory_space<vmem>>, vector<1x128x128xf32>
      %get3A_194 = vector.shape_cast %get3A_193 : vector<1x128x128xf32> to vector<128x128xf32>
      %transpose3A_195 = tpu.transpose %get3A_194, [1, 0] : vector<128x128xf32> -> vector<128x128xf32>
      %convert_element_type3A_196 = arith.truncf %transpose3A_195 : vector<128x128xf32> to vector<128x128xbf16>
      %swap3A_197 = arith.constant 0 : index
      %swap3A_198 = arith.constant 256 : index
      %swap3A_199 = vector.load %arg20[%swap3A_197, %swap3A_198] : memref<128x1024xbf16, #tpu.memory_space<vmem>>, vector<128x128xbf16>
      tpu.vector_store %arg20[%swap3A_197, %swap3A_198], %convert_element_type3A_196 {strides = array<i32>} : memref<128x1024xbf16, #tpu.memory_space<vmem>>, vector<128x128xbf16>,
      %get3A_200 = arith.constant 3 : index
      %get3A_201 = arith.constant 0 : index
      %get3A_202 = arith.constant 0 : index
      %get3A_203 = vector.load %arg7[%get3A_200, %get3A_201, %get3A_202] : memref<8x128x128xf32, #tpu.memory_space<vmem>>, vector<1x128x128xf32>
      %get3A_204 = vector.shape_cast %get3A_203 : vector<1x128x128xf32> to vector<128x128xf32>
      %transpose3A_205 = tpu.transpose %get3A_204, [1, 0] : vector<128x128xf32> -> vector<128x128xf32>
      %convert_element_type3A_206 = arith.truncf %transpose3A_205 : vector<128x128xf32> to vector<128x128xbf16>
      %swap3A_207 = arith.constant 0 : index
      %swap3A_208 = arith.constant 384 : index
      %swap3A_209 = vector.load %arg20[%swap3A_207, %swap3A_208] : memref<128x1024xbf16, #tpu.memory_space<vmem>>, vector<128x128xbf16>
      tpu.vector_store %arg20[%swap3A_207, %swap3A_208], %convert_element_type3A_206 {strides = array<i32>} : memref<128x1024xbf16, #tpu.memory_space<vmem>>, vector<128x128xbf16>,
      %get3A_210 = arith.constant 4 : index
      %get3A_211 = arith.constant 0 : index
      %get3A_212 = arith.constant 0 : index
      %get3A_213 = vector.load %arg7[%get3A_210, %get3A_211, %get3A_212] : memref<8x128x128xf32, #tpu.memory_space<vmem>>, vector<1x128x128xf32>
      %get3A_214 = vector.shape_cast %get3A_213 : vector<1x128x128xf32> to vector<128x128xf32>
      %transpose3A_215 = tpu.transpose %get3A_214, [1, 0] : vector<128x128xf32> -> vector<128x128xf32>
      %convert_element_type3A_216 = arith.truncf %transpose3A_215 : vector<128x128xf32> to vector<128x128xbf16>
      %swap3A_217 = arith.constant 0 : index
      %swap3A_218 = arith.constant 512 : index
      %swap3A_219 = vector.load %arg20[%swap3A_217, %swap3A_218] : memref<128x1024xbf16, #tpu.memory_space<vmem>>, vector<128x128xbf16>
      tpu.vector_store %arg20[%swap3A_217, %swap3A_218], %convert_element_type3A_216 {strides = array<i32>} : memref<128x1024xbf16, #tpu.memory_space<vmem>>, vector<128x128xbf16>,
      %get3A_220 = arith.constant 5 : index
      %get3A_221 = arith.constant 0 : index
      %get3A_222 = arith.constant 0 : index
      %get3A_223 = vector.load %arg7[%get3A_220, %get3A_221, %get3A_222] : memref<8x128x128xf32, #tpu.memory_space<vmem>>, vector<1x128x128xf32>
      %get3A_224 = vector.shape_cast %get3A_223 : vector<1x128x128xf32> to vector<128x128xf32>
      %transpose3A_225 = tpu.transpose %get3A_224, [1, 0] : vector<128x128xf32> -> vector<128x128xf32>
      %convert_element_type3A_226 = arith.truncf %transpose3A_225 : vector<128x128xf32> to vector<128x128xbf16>
      %swap3A_227 = arith.constant 0 : index
      %swap3A_228 = arith.constant 640 : index
      %swap3A_229 = vector.load %arg20[%swap3A_227, %swap3A_228] : memref<128x1024xbf16, #tpu.memory_space<vmem>>, vector<128x128xbf16>
      tpu.vector_store %arg20[%swap3A_227, %swap3A_228], %convert_element_type3A_226 {strides = array<i32>} : memref<128x1024xbf16, #tpu.memory_space<vmem>>, vector<128x128xbf16>,
      %get3A_230 = arith.constant 6 : index
      %get3A_231 = arith.constant 0 : index
      %get3A_232 = arith.constant 0 : index
      %get3A_233 = vector.load %arg7[%get3A_230, %get3A_231, %get3A_232] : memref<8x128x128xf32, #tpu.memory_space<vmem>>, vector<1x128x128xf32>
      %get3A_234 = vector.shape_cast %get3A_233 : vector<1x128x128xf32> to vector<128x128xf32>
      %transpose3A_235 = tpu.transpose %get3A_234, [1, 0] : vector<128x128xf32> -> vector<128x128xf32>
      %convert_element_type3A_236 = arith.truncf %transpose3A_235 : vector<128x128xf32> to vector<128x128xbf16>
      %swap3A_237 = arith.constant 0 : index
      %swap3A_238 = arith.constant 768 : index
      %swap3A_239 = vector.load %arg20[%swap3A_237, %swap3A_238] : memref<128x1024xbf16, #tpu.memory_space<vmem>>, vector<128x128xbf16>
      tpu.vector_store %arg20[%swap3A_237, %swap3A_238], %convert_element_type3A_236 {strides = array<i32>} : memref<128x1024xbf16, #tpu.memory_space<vmem>>, vector<128x128xbf16>,
      %get3A_240 = arith.constant 7 : index
      %get3A_241 = arith.constant 0 : index
      %get3A_242 = arith.constant 0 : index
      %get3A_243 = vector.load %arg7[%get3A_240, %get3A_241, %get3A_242] : memref<8x128x128xf32, #tpu.memory_space<vmem>>, vector<1x128x128xf32>
      %get3A_244 = vector.shape_cast %get3A_243 : vector<1x128x128xf32> to vector<128x128xf32>
      %transpose3A_245 = tpu.transpose %get3A_244, [1, 0] : vector<128x128xf32> -> vector<128x128xf32>
      %convert_element_type3A_246 = arith.truncf %transpose3A_245 : vector<128x128xf32> to vector<128x128xbf16>
      %swap3A_247 = arith.constant 0 : index
      %swap3A_248 = arith.constant 896 : index
      %swap3A_249 = vector.load %arg20[%swap3A_247, %swap3A_248] : memref<128x1024xbf16, #tpu.memory_space<vmem>>, vector<128x128xbf16>
      tpu.vector_store %arg20[%swap3A_247, %swap3A_248], %convert_element_type3A_246 {strides = array<i32>} : memref<128x1024xbf16, #tpu.memory_space<vmem>>, vector<128x128xbf16>,
    } else {
    }
    %get3A_46 = arith.constant 0 : index
    %get3A_47 = arith.constant 0 : index
    %get3A_48 = vector.load %arg11[%get3A_46, %get3A_47] : memref<8x1024xf32, #tpu.memory_space<vmem>>, vector<8x1024xf32>
    %get3A_49 = arith.constant 0 : index
    %get3A_50 = arith.constant 0 : index
    %get3A_51 = vector.load %arg10[%get3A_49, %get3A_50] : memref<1024x1024xf32, #tpu.memory_space<vmem>>, vector<1024x1024xf32>
    %dot_general3A_52 = arith.constant dense<0.000000e+00> : vector<8x1024xf32>
    %dot_general3A_53 = tpu.matmul %get3A_48, %get3A_51, %dot_general3A_52 {dimension_numbers = #tpu.dot_dimension_numbers<[1], [1], [0], [0], [0, 0, 1, 0], [], []>, transpose_lhs_hint = false} : vector<8x1024xf32>, vector<1024x1024xf32>, vector<8x1024xf32> -> vector<8x1024xf32>
    %reduce_sum3A = arith.constant dense<0.000000e+00> : vector<1024xf32>
    %reduce_sum3A_54 = vector.multi_reduction <add>, %dot_general3A_53, %reduce_sum3A [0] : vector<8x1024xf32> to vector<1024xf32>
    %broadcast_in_dim3A = vector.shape_cast %reduce_sum3A_54 : vector<1024xf32> to vector<1x1024xf32>
    %div3A = arith.constant 8.000000e+00 : f32
    %div3A_55 = vector.broadcast %div3A : f32 to vector<1x1024xf32>
    %div3A_56 = arith.divf %broadcast_in_dim3A, %div3A_55 : vector<1x1024xf32>
    %sub3A = vector.broadcast %div3A_56 : vector<1x1024xf32> to vector<8x1024xf32>
    %sub3A_57 = arith.subf %dot_general3A_53, %sub3A : vector<8x1024xf32>
    %sub3A_58 = vector.broadcast %div3A_56 : vector<1x1024xf32> to vector<8x1024xf32>
    %sub3A_59 = arith.subf %dot_general3A_53, %sub3A_58 : vector<8x1024xf32>
    %mul3A_60 = arith.mulf %sub3A_57, %sub3A_59 : vector<8x1024xf32>
    %reduce_sum3A_61 = arith.constant dense<0.000000e+00> : vector<1024xf32>
    %reduce_sum3A_62 = vector.multi_reduction <add>, %mul3A_60, %reduce_sum3A_61 [0] : vector<8x1024xf32> to vector<1024xf32>
    %broadcast_in_dim3A_63 = vector.shape_cast %reduce_sum3A_62 : vector<1024xf32> to vector<1x1024xf32>
    %div3A_64 = arith.constant 8.000000e+00 : f32
    %div3A_65 = vector.broadcast %div3A_64 : f32 to vector<1x1024xf32>
    %div3A_66 = arith.divf %broadcast_in_dim3A_63, %div3A_65 : vector<1x1024xf32>
    %sub3A_67 = vector.broadcast %div3A_56 : vector<1x1024xf32> to vector<8x1024xf32>
    %sub3A_68 = arith.subf %dot_general3A_53, %sub3A_67 : vector<8x1024xf32>
    %add3A = arith.constant 9.99999974E-6 : f32
    %add3A_69 = vector.broadcast %add3A : f32 to vector<1x1024xf32>
    %add3A_70 = arith.addf %div3A_66, %add3A_69 : vector<1x1024xf32>
    %rsqrt3A = math.rsqrt %add3A_70 : vector<1x1024xf32>
    %mul3A_71 = vector.broadcast %rsqrt3A : vector<1x1024xf32> to vector<8x1024xf32>
    %mul3A_72 = arith.mulf %sub3A_68, %mul3A_71 : vector<8x1024xf32>
    %get3A_73 = arith.constant 0 : index
    %get3A_74 = arith.constant 0 : index
    %get3A_75 = vector.load %arg12[%get3A_73, %get3A_74] : memref<8x1xf32, #tpu.memory_space<vmem>>, vector<8x1xf32>
    %mul3A_76 = vector.broadcast %get3A_75 : vector<8x1xf32> to vector<8x1024xf32>
    %mul3A_77 = arith.mulf %mul3A_72, %mul3A_76 : vector<8x1024xf32>
    %get3A_78 = arith.constant 0 : index
    %get3A_79 = arith.constant 0 : index
    %get3A_80 = vector.load %arg13[%get3A_78, %get3A_79] : memref<8x1xf32, #tpu.memory_space<vmem>>, vector<8x1xf32>
    %add3A_81 = vector.broadcast %get3A_80 : vector<8x1xf32> to vector<8x1024xf32>
    %add3A_82 = arith.addf %mul3A_77, %add3A_81 : vector<8x1024xf32>
    %get3A_83 = arith.constant 0 : index
    %get3A_84 = arith.constant 0 : index
    %get3A_85 = vector.load %arg14[%get3A_83, %get3A_84] : memref<1x1xf32, #tpu.memory_space<vmem>>, vector<1x1xf32>
    %get3A_86 = vector.extract %get3A_85[0, 0] : f32 from vector<1x1xf32>
    %add3A_87 = arith.constant 9.99999997E-7 : f32
    %add3A_88 = arith.addf %get3A_86, %add3A_87 : f32
    %div3A_89 = vector.broadcast %add3A_88 : f32 to vector<8x1024xf32>
    %div3A_90 = arith.divf %add3A_82, %div3A_89 : vector<8x1024xf32>
    %reduce_max3A = arith.constant dense<0xFF800000> : vector<1024xf32>
    %reduce_max3A_91 = vector.multi_reduction <maximumf>, %div3A_90, %reduce_max3A [0] : vector<8x1024xf32> to vector<1024xf32>
    %broadcast_in_dim3A_92 = vector.shape_cast %reduce_max3A_91 : vector<1024xf32> to vector<1x1024xf32>
    %sub3A_93 = vector.broadcast %broadcast_in_dim3A_92 : vector<1x1024xf32> to vector<8x1024xf32>
    %sub3A_94 = arith.subf %div3A_90, %sub3A_93 : vector<8x1024xf32>
    %exp3A = math.exp %sub3A_94 : vector<8x1024xf32>
    %reduce_sum3A_95 = arith.constant dense<0.000000e+00> : vector<1024xf32>
    %reduce_sum3A_96 = vector.multi_reduction <add>, %exp3A, %reduce_sum3A_95 [0] : vector<8x1024xf32> to vector<1024xf32>
    %broadcast_in_dim3A_97 = vector.shape_cast %reduce_sum3A_96 : vector<1024xf32> to vector<1x1024xf32>
    %div3A_98 = vector.broadcast %broadcast_in_dim3A_97 : vector<1x1024xf32> to vector<8x1024xf32>
    %div3A_99 = arith.divf %exp3A, %div3A_98 : vector<8x1024xf32>
    %swap3A_100 = arith.constant 0 : index
    %swap3A_101 = arith.constant 0 : index
    %swap3A_102 = vector.load %arg23[%swap3A_100, %swap3A_101] : memref<8x1024xf32, #tpu.memory_space<vmem>>, vector<8x1024xf32>
    tpu.vector_store %arg23[%swap3A_100, %swap3A_101], %div3A_99 {strides = array<i32>} : memref<8x1024xf32, #tpu.memory_space<vmem>>, vector<8x1024xf32>,
    %mul3A_103 = arith.mulf %add3A_82, %add3A_82 : vector<8x1024xf32>
    %reduce_sum3A_104 = vector.shape_cast %mul3A_103 : vector<8x1024xf32> to vector<1x8x1024xf32>
    %reduce_sum3A_105 = arith.constant dense<0.000000e+00> : vector<1xf32>
    %reduce_sum3A_106 = vector.multi_reduction <add>, %reduce_sum3A_104, %reduce_sum3A_105 [1, 2] : vector<1x8x1024xf32> to vector<1xf32>
    %reduce_sum3A_107 = vector.shape_cast %reduce_sum3A_106 : vector<1xf32> to vector<1x1x1xf32>
    %reduce_sum3A_108 = vector.extract %reduce_sum3A_107[0, 0, 0] : f32 from vector<1x1x1xf32>
    %iota3A = tpu.iota {dimensions = array<i32: 1>} : vector<8x128xi32>
    %iota3A_109 = tpu.iota {dimensions = array<i32: 0>} : vector<8x128xi32>
    %eq3A_110 = arith.constant 1 : i32
    %eq3A_111 = vector.broadcast %eq3A_110 : i32 to vector<8x128xi32>
    %eq3A_112 = arith.cmpi eq, %iota3A, %eq3A_111 : vector<8x128xi32>
    %eq3A_113 = arith.constant 0 : i32
    %eq3A_114 = vector.broadcast %eq3A_113 : i32 to vector<8x128xi32>
    %eq3A_115 = arith.cmpi eq, %iota3A_109, %eq3A_114 : vector<8x128xi32>
    %and3A = arith.andi %eq3A_112, %eq3A_115 : vector<8x128xi1>
    %jit3A = arith.constant 0.000000e+00 : f32
    %broadcast_in_dim3A_116 = vector.broadcast %reduce_sum3A_108 : f32 to vector<8x128xf32>
    %broadcast_in_dim3A_117 = vector.broadcast %jit3A : f32 to vector<8x128xf32>
    %select_n3A = arith.select %and3A, %broadcast_in_dim3A_116, %broadcast_in_dim3A_117 : vector<8x128xi1>, vector<8x128xf32>
    %reshape3A = vector.shape_cast %select_n3A : vector<8x128xf32> to vector<1x8x128xf32>
    %jit3A_118 = arith.constant 2 : i32
    %eq3A_119 = arith.constant 0 : i32
    %eq3A_120 = arith.cmpi eq, %jit3A_118, %eq3A_119 : i32
    %jit3A_121 = arith.constant 1 : i32
    %select_n3A_122 = arith.select %eq3A_120, %jit3A_121, %jit3A_118 : i32
    %rem3A = arith.remsi %arg0, %select_n3A_122 : i32
    %ne3A = arith.constant 0 : i32
    %ne3A_123 = arith.cmpi ne, %rem3A, %ne3A : i32
    %lt3A = arith.constant 0 : i32
    %lt3A_124 = arith.cmpi slt, %rem3A, %lt3A : i32
    %lt3A_125 = arith.constant 0 : i32
    %lt3A_126 = arith.cmpi slt, %select_n3A_122, %lt3A_125 : i32
    %ne3A_127 = arith.xori %lt3A_124, %lt3A_126 : i1
    %and3A_128 = arith.andi %ne3A_127, %ne3A_123 : i1
    %add3A_129 = arith.addi %rem3A, %select_n3A_122 : i32
    %select_n3A_130 = arith.select %and3A_128, %add3A_129, %rem3A : i32
    %eq3A_131 = arith.constant 0 : i32
    %eq3A_132 = arith.cmpi eq, %select_n3A_130, %eq3A_131 : i32
    %convert_element_type3A_133 = arith.extui %eq3A_132 : i1 to i32
    %cond3A_134 = arith.constant 0 : i32
    %cond3A_135 = arith.cmpi ne, %convert_element_type3A_133, %cond3A_134 : i32
    scf.if %cond3A_135 {
      %swap3A_157 = arith.constant 0 : index
      %swap3A_158 = arith.constant 0 : index
      %swap3A_159 = arith.constant 0 : index
      %swap3A_160 = vector.load %arg24[%swap3A_157, %swap3A_158, %swap3A_159] : memref<1x8x128xf32, #tpu.memory_space<vmem>>, vector<1x8x128xf32>
      tpu.vector_store %arg24[%swap3A_157, %swap3A_158, %swap3A_159], %reshape3A {strides = array<i32>} : memref<1x8x128xf32, #tpu.memory_space<vmem>>, vector<1x8x128xf32>,
    } else {
    }
    %jit3A_136 = arith.constant 2 : i32
    %eq3A_137 = arith.constant 0 : i32
    %eq3A_138 = arith.cmpi eq, %jit3A_136, %eq3A_137 : i32
    %jit3A_139 = arith.constant 1 : i32
    %select_n3A_140 = arith.select %eq3A_138, %jit3A_139, %jit3A_136 : i32
    %rem3A_141 = arith.remsi %arg0, %select_n3A_140 : i32
    %ne3A_142 = arith.constant 0 : i32
    %ne3A_143 = arith.cmpi ne, %rem3A_141, %ne3A_142 : i32
    %lt3A_144 = arith.constant 0 : i32
    %lt3A_145 = arith.cmpi slt, %rem3A_141, %lt3A_144 : i32
    %lt3A_146 = arith.constant 0 : i32
    %lt3A_147 = arith.cmpi slt, %select_n3A_140, %lt3A_146 : i32
    %ne3A_148 = arith.xori %lt3A_145, %lt3A_147 : i1
    %and3A_149 = arith.andi %ne3A_148, %ne3A_143 : i1
    %add3A_150 = arith.addi %rem3A_141, %select_n3A_140 : i32
    %select_n3A_151 = arith.select %and3A_149, %add3A_150, %rem3A_141 : i32
    %ne3A_152 = arith.constant 0 : i32
    %ne3A_153 = arith.cmpi ne, %select_n3A_151, %ne3A_152 : i32
    %convert_element_type3A_154 = arith.extui %ne3A_153 : i1 to i32
    %cond3A_155 = arith.constant 0 : i32
    %cond3A_156 = arith.cmpi ne, %convert_element_type3A_154, %cond3A_155 : i32
    scf.if %cond3A_156 {
      %get3A_157 = arith.constant 0 : index
      %get3A_158 = arith.constant 0 : index
      %get3A_159 = arith.constant 0 : index
      %get3A_160 = vector.load %arg24[%get3A_157, %get3A_158, %get3A_159] : memref<1x8x128xf32, #tpu.memory_space<vmem>>, vector<1x8x128xf32>
      %add3A_161 = arith.addf %get3A_160, %reshape3A : vector<1x8x128xf32>
      %swap3A_162 = arith.constant 0 : index
      %swap3A_163 = arith.constant 0 : index
      %swap3A_164 = arith.constant 0 : index
      %swap3A_165 = vector.load %arg24[%swap3A_162, %swap3A_163, %swap3A_164] : memref<1x8x128xf32, #tpu.memory_space<vmem>>, vector<1x8x128xf32>
      tpu.vector_store %arg24[%swap3A_162, %swap3A_163, %swap3A_164], %add3A_161 {strides = array<i32>} : memref<1x8x128xf32, #tpu.memory_space<vmem>>, vector<1x8x128xf32>,
    } else {
    }
    return
  }
  func.func @transform_0(%arg0: i32) -> (i32, i32) {
    %c0_i32 = arith.constant 0 : i32
    %c0_i32_0 = arith.constant 0 : i32
    return %arg0, %c0_i32 : i32, i32
  }
  func.func @transform_1(%arg0: i32) -> (i32, i32) {
    %c0_i32 = arith.constant 0 : i32
    %c0_i32_0 = arith.constant 0 : i32
    return %arg0, %c0_i32 : i32, i32
  }
  func.func @transform_2(%arg0: i32) -> (i32, i32) {
    %c0_i32 = arith.constant 0 : i32
    %c0_i32_0 = arith.constant 0 : i32
    return %arg0, %c0_i32 : i32, i32
  }
  func.func @transform_3(%arg0: i32) -> (i32, i32) {
    %c0_i32 = arith.constant 0 : i32
    %c0_i32_0 = arith.constant 0 : i32
    %c0_i32_1 = arith.constant 0 : i32
    return %c0_i32, %c0_i32_0 : i32, i32
  }
  func.func @transform_4(%arg0: i32) -> (i32, i32) {
    %c0_i32 = arith.constant 0 : i32
    %c0_i32_0 = arith.constant 0 : i32
    %c0_i32_1 = arith.constant 0 : i32
    return %c0_i32, %c0_i32_0 : i32, i32
  }
  func.func @transform_5(%arg0: i32) -> (i32, i32) {
    %c0_i32 = arith.constant 0 : i32
    %c0_i32_0 = arith.constant 0 : i32
    %c0_i32_1 = arith.constant 0 : i32
    return %c0_i32, %c0_i32_0 : i32, i32
  }
  func.func @transform_6(%arg0: i32) -> (i32, i32, i32) {
    %c0_i32 = arith.constant 0 : i32
    %c0_i32_0 = arith.constant 0 : i32
    %c0_i32_1 = arith.constant 0 : i32
    %c0_i32_2 = arith.constant 0 : i32
    return %c0_i32, %c0_i32_0, %c0_i32_1 : i32, i32, i32
  }
  func.func @transform_7(%arg0: i32) -> (i32, i32) {
    %c0_i32 = arith.constant 0 : i32
    %c0_i32_0 = arith.constant 0 : i32
    return %arg0, %c0_i32 : i32, i32
  }
  func.func @transform_8(%arg0: i32) -> (i32, i32) {
    %c0_i32 = arith.constant 0 : i32
    %c0_i32_0 = arith.constant 0 : i32
    %c0_i32_1 = arith.constant 0 : i32
    return %c0_i32, %c0_i32_0 : i32, i32
  }
  func.func @transform_9(%arg0: i32) -> (i32, i32) {
    %c0_i32 = arith.constant 0 : i32
    %c0_i32_0 = arith.constant 0 : i32
    return %arg0, %c0_i32 : i32, i32
  }
  func.func @transform_10(%arg0: i32) -> (i32, i32) {
    %c0_i32 = arith.constant 0 : i32
    %c0_i32_0 = arith.constant 0 : i32
    %c0_i32_1 = arith.constant 0 : i32
    return %c0_i32, %c0_i32_0 : i32, i32
  }
  func.func @transform_11(%arg0: i32) -> (i32, i32) {
    %c0_i32 = arith.constant 0 : i32
    %c0_i32_0 = arith.constant 0 : i32
    %c0_i32_1 = arith.constant 0 : i32
    return %c0_i32, %c0_i32_0 : i32, i32
  }
  func.func @transform_12(%arg0: i32) -> (i32, i32) {
    %c0_i32 = arith.constant 0 : i32
    %c0_i32_0 = arith.constant 0 : i32
    %c0_i32_1 = arith.constant 0 : i32
    return %c0_i32, %c0_i32_0 : i32, i32
  }
  func.func @transform_13(%arg0: i32) -> (i32, i32) {
    %c0_i32 = arith.constant 0 : i32
    %c0_i32_0 = arith.constant 0 : i32
    %c0_i32_1 = arith.constant 0 : i32
    return %c0_i32, %c0_i32_0 : i32, i32
  }
  func.func @transform_14(%arg0: i32) -> (i32, i32) {
    %c0_i32 = arith.constant 0 : i32
    %c0_i32_0 = arith.constant 0 : i32
    return %arg0, %c0_i32 : i32, i32
  }
  func.func @transform_15(%arg0: i32) -> (i32, i32) {
    %c0_i32 = arith.constant 0 : i32
    %c0_i32_0 = arith.constant 0 : i32
    return %arg0, %c0_i32 : i32, i32
  }
  func.func @transform_16(%arg0: i32) -> (i32, i32) {
    %c0_i32 = arith.constant 0 : i32
    %c0_i32_0 = arith.constant 0 : i32
    return %arg0, %c0_i32 : i32, i32
  }
  func.func @transform_17(%arg0: i32) -> (i32, i32) {
    %c0_i32 = arith.constant 0 : i32
    %c0_i32_0 = arith.constant 0 : i32
    %c0_i32_1 = arith.constant 0 : i32
    return %c0_i32, %c0_i32_0 : i32, i32
  }
  func.func @transform_18(%arg0: i32) -> (i32, i32) {
    %c0_i32 = arith.constant 0 : i32
    %c0_i32_0 = arith.constant 0 : i32
    %c0_i32_1 = arith.constant 0 : i32
    return %c0_i32, %c0_i32_0 : i32, i32
  }
  func.func @transform_19(%arg0: i32) -> (i32, i32) {
    %c0_i32 = arith.constant 0 : i32
    %c0_i32_0 = arith.constant 0 : i32
    %c0_i32_1 = arith.constant 0 : i32
    return %c0_i32, %c0_i32_0 : i32, i32
  }
  func.func @transform_20(%arg0: i32) -> (i32, i32) {
    %c0_i32 = arith.constant 0 : i32
    %c0_i32_0 = arith.constant 0 : i32
    return %arg0, %c0_i32 : i32, i32
  }
  func.func @transform_21(%arg0: i32) -> (i32, i32) {
    %c0_i32 = arith.constant 0 : i32
    %c0_i32_0 = arith.constant 0 : i32
    return %arg0, %c0_i32 : i32, i32
  }
  func.func @transform_22(%arg0: i32) -> (i32, i32) {
    %c0_i32 = arith.constant 0 : i32
    %c0_i32_0 = arith.constant 0 : i32
    return %c0_i32, %arg0 : i32, i32
  }
  func.func @transform_23(%arg0: i32) -> (i32, i32, i32) {
    %jit3A = arith.constant 2 : i32
    %div3A = arith.divsi %arg0, %jit3A : i32
    %sign3A = arith.constant 0 : i32
    %sign3A_0 = arith.cmpi sgt, %arg0, %sign3A : i32
    %sign3A_1 = arith.extui %sign3A_0 : i1 to i32
    %sign3A_2 = arith.constant 0 : i32
    %sign3A_3 = arith.cmpi slt, %arg0, %sign3A_2 : i32
    %sign3A_4 = arith.extui %sign3A_3 : i1 to i32
    %sign3A_5 = arith.subi %sign3A_1, %sign3A_4 : i32
    %sign3A_6 = arith.constant 0 : i32
    %sign3A_7 = arith.cmpi sgt, %jit3A, %sign3A_6 : i32
    %sign3A_8 = arith.extui %sign3A_7 : i1 to i32
    %sign3A_9 = arith.constant 0 : i32
    %sign3A_10 = arith.cmpi slt, %jit3A, %sign3A_9 : i32
    %sign3A_11 = arith.extui %sign3A_10 : i1 to i32
    %sign3A_12 = arith.subi %sign3A_8, %sign3A_11 : i32
    %ne3A = arith.cmpi ne, %sign3A_5, %sign3A_12 : i32
    %rem3A = arith.remsi %arg0, %jit3A : i32
    %ne3A_13 = arith.constant 0 : i32
    %ne3A_14 = arith.cmpi ne, %rem3A, %ne3A_13 : i32
    %and3A = arith.andi %ne3A, %ne3A_14 : i1
    %sub3A = arith.constant 1 : i32
    %sub3A_15 = arith.subi %div3A, %sub3A : i32
    %select_n3A = arith.select %and3A, %sub3A_15, %div3A : i32
    %c0_i32 = arith.constant 0 : i32
    %c0_i32_16 = arith.constant 0 : i32
    %c0_i32_17 = arith.constant 0 : i32
    return %select_n3A, %c0_i32, %c0_i32_16 : i32, i32, i32
  }
}

</mosaic_0001>

<sc_bundles>
// kernel: kernel.6.cloned.1.call-start
scs
__scs_entry_jumppad:
0x0: {  	(pc) =	sbr.rel $0x88, $3  }
0x1: {  	(tag) =	ssettag $0x0;
	lr =	simm.s32 $0x1  }
0x2: {  	[smem:$0x3F8A] =	sst lr;
	_ =	strace $0xD0000000  }
0x3: {  	_ = 	snop  }
0x4: {  	_ = 	snop  }
0x5: {  	_ = 	snop  }
0x6: {  	_ = 	snop  }
0x7: {  	_ = 	snop  }
__scs_overlays_trampoline_lowered:
0x8: {  	[smem:$0x3F99] =	sst s0  }
0x9: {  	[smem:$0x3F9A] =	sst s1  }
0xa: {  	[smem:$0x3F9B] =	sst s2  }
0xb: {  	[smem:$0x3F9C] =	sst s3  }
0xc: {  	[smem:$0x3F9D] =	sst s4  }
0xd: {  	[smem:$0x3F9E] =	sst s5  }
0xe: {  	[smem:$0x3F9F] =	sst s6  }
0xf: {  	[smem:$0x3FA0] =	sst s7  }
0x10: {  	[smem:$0x3FA1] =	sst s8  }
0x11: {  	[smem:$0x3FA2] =	sst s9;
	s0 =	simm.s32 @!p0 $0x0  }
0x12: {  	s1 =	sld [smem:$0x3F88];
	s0 =	simm.s32 @p0 $0x1  }
0x13: {  	[smem:$0x3FA3] =	sst s0;
	s0 =	simm.s32 @!p1 $0x0  }
0x14: {  	s2 =	sld [smem:$0x3F87];
	s0 =	simm.s32 @p1 $0x1  }
0x15: {  	[smem:$0x3FA4] =	sst s0;
	s0 =	simm.s32 @!p2 $0x0  }
0x16: {  	s3 =	sld [smem:$0x3FDB];
	s0 =	simm.s32 @p2 $0x1  }
0x17: {  	s4 =	simm.s32 $0x1BF5;
	[smem:$0x3FA6] =	sst s0  }
0x18: {  	s0 =	sld [smem:$0x3F89];
	_ =	swait.ge [sflag:s4], $0x0  }
0x19: {  	s7 =	sld [smem:$0x3F8A]  }
0x1a: {  	s8 =	sadd.s32 $0xFFFFE003, lr  }
0x1b: {  	s9 =	sadd.s32 $0xFFFFFEF7, lr;
	s5 =	simm.s32 $0xFFFFFFFF;
	p2 =	slt.u32 s8, $0xFFFFF086  }
0x1c: {  	p1 =	slt.u32 s9, $0xF7A;
	s5 =	simm.s32 @!p2 $0x0  }
0x1d: {  	s5 =	simm.s32 @p1 $0x1;
	p0 =	seq.s32 s7, s2  }
0x1e: {  	s7 =	smul.u32 @!p0 $0xF7A, s2;
	p2 =	seq.s32 @!p0 s5, $0x0  }
0x1f: {  	s9 =	smul.u32 $0xF7A, s1;
	s8 =	simm.s32 @!p0 $0x1BF5;
	p2 =	por !p2, p0  }
0x20: {  	[sflag:s8] =	ssyncset.s32 @!p0 $0xFFFFF086;
	s6 =	sadd.s32 @!p0 s3, s7;
	s7 =	simm.s32 @!p0 $0x108  }
0x21: {  	s3 =	sadd.s32 s3, s9;
	s6 =	sadd.s32 @!p0 $0x88, s6;
	s7 =	simm.s32 @p2 $0x1082  }
0x22: {  	[simem:s7], [sflag:s8] =	dma.local @!p0 [hbm:s6], $0xF7A  }
0x23: {  	s9 =	sor.u32 $0xD0000000, s2;
	s6 =	simm.s32 $0x108;
	_ =	swait.ge @!p0 [sflag:s8], $0x0  }
0x24: {  	s3 =	sadd.s32 $0x88, s3;
	s6 =	simm.s32 @!p1 $0x1082;
	[sflag:s4] =	ssyncset.s32 $0xFFFFF086  }
0x25: {  	[simem:s6], [sflag:s4] =	dma.local [hbm:s3], $0xF7A  }
0x26: {  	[smem:$0x3F8A] =	sst s1;
	(tag) =	ssettag s2;
	_ =	strace s9  }
0x27: {  	s1 =	sld [smem:$0x3F9A]  }
0x28: {  	s2 =	sld [smem:$0x3F9B]  }
0x29: {  	s4 =	sld [smem:$0x3F9D]  }
0x2a: {  	p0 =	seq.s32 s5, $0x0;
	s5 =	sld [smem:$0x3F9E]  }
0x2b: {  	s6 =	sld [smem:$0x3F9F]  }
0x2c: {  	s7 =	sld [smem:$0x3FA0]  }
0x2d: {  	s3 =	simm.s32 $0x108;
	s8 =	sld [smem:$0x3FA1]  }
0x2e: {  	s3 =	simm.s32 @!p0 $0x1082;
	s9 =	sld [smem:$0x3FA2]  }
0x2f: {  	lr =	sadd.s32 s0, s3;
	s0 =	sld [smem:$0x3F99]  }
0x30: {  	s3 =	sld [smem:$0x3F9C]  }
0x31: {  	[smem:$0x3FA5] =	sst s10  }
0x32: {  	s10 =	sld [smem:$0x3FA3];
	_ =	sdelay $0x3  }
0x33: {  	p0 =	seq.s32 s10, $0x1;
	s10 =	sld [smem:$0x3FA5];
	_ =	sdelay $0x3  }
0x34: {  	[smem:$0x3FA5] =	sst s10  }
0x35: {  	s10 =	sld [smem:$0x3FA4];
	_ =	sdelay $0x3  }
0x36: {  	p1 =	seq.s32 s10, $0x1;
	s10 =	sld [smem:$0x3FA5];
	_ =	sdelay $0x3  }
0x37: {  	[smem:$0x3FA5] =	sst s10  }
0x38: {  	s10 =	sld [smem:$0x3FA6]  }
0x39: {  	_ = 	snop;
	(pc) =	sbr.ind lr, $3  }
0x3a: {  	_ = 	snop  }
0x3b: {  	_ = 	snop  }
0x3c: {  	p2 =	seq.s32 s10, $0x1;
	s10 =	sld [smem:$0x3FA5]  }
0x3d: {  	_ =	shalt  }
0x3e: {  	_ =	shalt  }
0x3f: {  	_ =	shalt  }
0x40: {  	_ =	shalt  }
0x41: {  	_ =	shalt  }
0x42: {  	_ =	shalt  }
0x43: {  	_ =	shalt  }
0x44: {  	_ =	shalt  }
0x45: {  	_ =	shalt  }
0x46: {  	_ =	shalt  }
0x47: {  	_ =	shalt  }
0x48: {  	_ =	shalt  }
0x49: {  	_ =	shalt  }
0x4a: {  	_ =	shalt  }
0x4b: {  	_ =	shalt  }
0x4c: {  	_ =	shalt  }
0x4d: {  	_ =	shalt  }
0x4e: {  	_ =	shalt  }
0x4f: {  	_ =	shalt  }
0x50: {  	_ =	shalt  }
0x51: {  	_ =	shalt  }
0x52: {  	_ =	shalt  }
0x53: {  	_ =	shalt  }
0x54: {  	_ =	shalt  }
0x55: {  	_ =	shalt  }
0x56: {  	_ =	shalt  }
0x57: {  	_ =	shalt  }
0x58: {  	_ =	shalt  }
0x59: {  	_ =	shalt  }
0x5a: {  	_ =	shalt  }
0x5b: {  	_ =	shalt  }
0x5c: {  	_ =	shalt  }
0x5d: {  	_ =	shalt  }
0x5e: {  	_ =	shalt  }
0x5f: {  	_ =	shalt  }
0x60: {  	_ =	shalt  }
0x61: {  	_ =	shalt  }
0x62: {  	_ =	shalt  }
0x63: {  	_ =	shalt  }
0x64: {  	_ =	shalt  }
0x65: {  	_ =	shalt  }
0x66: {  	_ =	shalt  }
0x67: {  	_ =	shalt  }
0x68: {  	_ =	shalt  }
0x69: {  	_ =	shalt  }
0x6a: {  	_ =	shalt  }
0x6b: {  	_ =	shalt  }
0x6c: {  	_ =	shalt  }
0x6d: {  	_ =	shalt  }
0x6e: {  	_ =	shalt  }
0x6f: {  	_ =	shalt  }
0x70: {  	_ =	shalt  }
0x71: {  	_ =	shalt  }
0x72: {  	_ =	shalt  }
0x73: {  	_ =	shalt  }
0x74: {  	_ =	shalt  }
0x75: {  	_ =	shalt  }
0x76: {  	_ =	shalt  }
0x77: {  	_ =	shalt  }
0x78: {  	_ =	shalt  }
0x79: {  	_ =	shalt  }
0x7a: {  	_ =	shalt  }
0x7b: {  	_ =	shalt  }
0x7c: {  	_ =	shalt  }
0x7d: {  	_ =	shalt  }
0x7e: {  	_ =	shalt  }
0x7f: {  	_ =	shalt  }
0x80: {  	_ =	shalt  }
0x81: {  	_ =	shalt  }
0x82: {  	_ =	shalt  }
0x83: {  	_ =	shalt  }
0x84: {  	_ =	shalt  }
0x85: {  	_ =	shalt  }
0x86: {  	_ =	shalt  }
0x87: {  	_ =	shalt  }
.Lfunc_end0:
.L_simem_size_0:
called_computation_lowered:
.L_overlay_start_0:
0x88: {  	s2 =	sld [smem:$0x3FD9]  }
0x89: {  	s3 =	sld [smem:$0x3FFE];
	_ =	sdelay $0x1  }
0x8a: {  	s1 =	srdreg.scid  }
0x8b: {  	s0 =	sand.u32 $0x1, s1  }
0x8c: {  	s16 =	sshll.u32 s0, $0xA;
	s2 =	sadd.s32 s3, s2  }
0x8d: {  	s2 =	sadd.s32 s2, s16  }
0x8e: {  	[smem:$0x3FB1] =	sst s2  }
0x8f: {  	_ = 	snop  }
0x90: {  	(tm) =	ssettm $0x1  }
0x91: {  	s17 =	sld [smem:$0x3FFB];
	_ =	sdelay $0x3  }
0x92: {  	_ =	strace s17  }
0x93: {  	s2 =	sld [smem:$0x3FFC];
	_ =	sdelay $0x3  }
0x94: {  	_ =	strace s2  }
0x95: {  	s2 =	sld [smem:$0x3FFD];
	_ =	sdelay $0x3  }
0x96: {  	_ =	strace s2  }
0x97: {  	_ =	strace $0x8FFFFFFF  }
0x98: {  	s18 =	sld [smem:$0x3FDB];
	_ =	sdelay $0x1  }
0x99: {  	s19 =	simm.s32 $_scs_section_size  }
0x9a: {  	s4 =	simm.s32 $_size__tile_overlayer_lowered;
	s5 =	simm.s32 $_tile_overlayer_lowered  }
0x9b: {  	s22 =	simm.s32 $0x1BFF;
	s21 =	sshll.u32 s5, $0x1;
	s2 =	sadd.s32 s19, s18  }
0x9c: {  	s6 =	simm.s32 $0x0;
	s20 =	sshll.u32 s4, $0x1;
	s4 =	sadd.s32 s21, s2  }
0x9d: {  	[timem:s6], [sflag:s22] =	dma.local [hbm:s4], s20  }
0x9e: {  	_ =	swait.ge [sflag:s22], s20  }
0x9f: {  	s3 =	ssub.s32 $0x0, s20;
	[sflag:s22] =	ssyncset.done $0x0  }
0xa0: {  	[sflag:s22] =	ssyncadd.s32 s3;
	_ =	sdelay $0x1  }
0xa1: {  	s23 =	simm.s32 $0x1B8B  }
0xa2: {  	_ =	swait.ge [sflag:s23], $0x1  }
0xa3: {  	[sflag:s23] =	ssyncset.done $0x0  }
0xa4: {  	s25 =	simm.s32 $0x1B8E;
	s24 =	sld [smem:$0x3FFE];
	[sflag:s23] =	ssyncadd.s32 $0xFFFFFFFF  }
0xa5: {  	s26 =	simm.s32 $execute0_lowered;
	[smem:$0x3FD2] =	sst s25  }
0xa6: {  	s4 =	sshll.u32 s26, $0x1;
	_ =	strace $0x80000046;
	[dreg:$0x1] =	wrdreg $0xFFFFFFFF  }
0xa7: {  	s28 =	simm.s32 $_size_execute0_lowered;
	s2 =	sadd.s32 s2, s4;
	[dreg:$0x0] =	wrdreg $0x0  }
0xa8: {  	s4 =	sshll.u32 s28, $0x1;
	[dreg:$0x2] =	wrdreg s2  }
0xa9: {  	[dreg:$0x3] =	wrdreg s4  }
0xaa: {  	[dreg:$0x4] =	wrdreg $0xC0  }
0xab: {  	_ =	task [dreg:s6], $0x5FFFF  }
0xac: {  	[dreg:$0x1] =	wrdreg $0xFFFFFFFF  }
0xad: {  	[dreg:$0x0] =	wrdreg $0x60  }
0xae: {  	[dreg:$0x2] =	wrdreg s24  }
0xaf: {  	[dreg:$0x3] =	wrdreg $0x9  }
0xb0: {  	_ =	task.clear_ibuf [dreg:s6], $0x4FFFF;
	_ =	strace $0x90000046  }
0xb1: {  	s29 =	simm.s32 $0x9;
	_ =	strace $0x8000004D  }
0xb2: {  	_ =	swait.ge [sflag:s29], $0x1  }
0xb3: {  	[sflag:s29] =	ssyncadd.s32 $0xFFFFFFFF  }
0xb4: {  	_ =	strace $0x9000004D  }
0xb5: {  	_ =	sfence  }
0xb6: {  	s30 =	sld [smem:$0x0];
	_ =	sdelay $0x2  }
0xb7: {  	s31 =	sshll.u32 s1, $0xD;
	s1 =	sshrl.u32 s1, $0x2  }
0xb8: {  	s3 =	sand.u32 $0x4000, s31;
	s1 =	sadd.s32 s1, s30  }
0xb9: {  	s0 =	sor.u32 s3, s0;
	s1 =	sshll.u32 s1, $0x11  }
0xba: {  	s0 =	sor.u32 s1, s0  }
0xbb: {  	s0 =	sadd.s32 $0x8F2B, s0  }
0xbc: {  	[sflag:s0] =	ssyncadd.remote.s32 $0x1  }
0xbd: {  	_ =	sfence.sel $0xFFFF  }
0xbe: {  	[dreg:$0x0] =	wrdreg $0xFFFFFFFF;
	(pc) =	sbr.abs _section_cstart, $3  }
0xbf: {  	[dreg:$0x1] =	wrdreg $0xFFFFFFFF  }
0xc0: {  	_ =	task.clear_ibuf [dreg:s6], $0x2FFFF;
	_ =	strace $0x9FFFFFFF  }
0xc1: {  	(tm) =	ssettm $0x7FFFFFFF  }
tec
execute0_lowered:
.L_overlay_start_1:
0x0: {  	(tag) =	ssettag $0x1  }
0x1: {  	s0 =	srdreg.scid  }
0x2: {  	s3 =	rddreg [dreg:$0x0];
	s1 =	stileid.u32;
	s2 =	simm.s32 $0x0  }
0x3: {  	s7 =	simm.s32 $0x800;
	s8 =	simm.s32 $0x3;
	s9 =	simm.s32 $0x0  }
0x4: {  	s4 =	sand.u32 $0x1, s0;
	s0 =	rddreg [dreg:$0x1];
	s6 =	sshll.u32 s1, $0x7  }
0x5: {  	[smem:$0x7FF] =	sst s2;
	s5 =	sshll.u32 s4, $0xB;
	s4 =	ssub.s32 $0x2, s4  }
0x6: {  	_ =	strace $0x80000047;
	s5 =	sor.u32 s6, s5;
	s30 =	sshrl.u32 s4, $0x1  }
0x7: {  	s6 =	simm.s32 $0x1;
	s5 =	sadd.s32 s5, s3;
	s31 =	ssub.s32 s4, s30  }
0x8: {  	v0 =	vimm.s32 $0x0;
	s3 =	sadd.s32 $0x2E00, s5;
	s4 =	sadd.s32 $0x3E00, s5;
	s5 =	smax.u32 s31, $0x1  }
.LBB2_1:
0x9: {  	_ =	strace $0x80000048  }
0xa: {  	[tilespmem:s2], [sflag:$0x1] =	stream.linear.gather [hbm4b:s3+s2], $0x400, $0x200038;
	[tilespmem:$0x1000] =	vst v63  }
0xb: {  	_ =	strace $0x90000048  }
0xc: {  	_ =	strace $0x80000049  }
0xd: {  	_ =	swait.ge [sflag:s6], $0x400  }
0xe: {  	[sflag:s6] =	ssyncset.done $0x0  }
0xf: {  	[sflag:s6] =	ssyncadd.s32 $0xFFFFFC00  }
0x10: {  	_ =	strace $0x90000049  }
0x11: {  	s10 =	simm.s32 $0xFFFFFF80;
	_ =	strace $0x8000004A  }
0x12: {  	v1 =	vld [tilespmem:s10+$0x80]  }
0x13: {  	v2 =	vld [tilespmem:s10+$0x100];
	_ =	sdelay $0x3  }
0x14: {  	v3 =	vld [tilespmem:s10+$0x180];
	vm0 =	vgt.f32 v1, $-Inf  }
0x15: {  	vm1 =	vgt.f32 v2, $-Inf;
	v1 =	vnsel vm0, $0xFF800000, v1;
	vm0 =	vlt.f32 v2, $-Inf  }
0x16: {  	vm2 =	vgt.f32 v2, v1;
	vm0 =	vmor vm1, vm0  }
0x17: {  	v5 =	vld [tilespmem:s10+$0x200];
	vm1 =	vmneg vm2;
	v4 =	vnsel vm0, $0xFF800000, v2  }
0x18: {  	v4 =	vsel vm1, v4, v1  }
0x19: {  	v1 =	vsel vm1, v1, v2;
	vm3 =	vgt.f32 v3, v4  }
0x1a: {  	vm4 =	vgt.f32 v3, v1;
	v2 =	vsel vm3, v3, v4;
	v4 =	vld [tilespmem:s10+$0x280]  }
0x1b: {  	v6 =	vsel vm2, $0x1, v0;
	v2 =	vsel vm4, v1, v2  }
0x1c: {  	vm0 =	vmand vm0, vm1;
	v1 =	vsel vm4, v3, v1;
	vm1 =	vgt.f32 v5, v2  }
0x1d: {  	v7 =	vld [tilespmem:s10+$0x300];
	v3 =	vsel vm0, $0x1, v0;
	vm0 =	vgt.f32 v5, v1;
	v2 =	vsel vm1, v5, v2  }
0x1e: {  	v8 =	vsel vm4, $0x2, v6;
	v3 =	vsel vm3, $0x2, v3;
	v2 =	vsel vm0, v1, v2  }
0x1f: {  	v3 =	vsel vm4, v6, v3;
	v5 =	vsel vm0, v5, v1;
	vm2 =	vgt.f32 v4, v2  }
0x20: {  	v1 =	vld [tilespmem:s10+$0x380];
	v3 =	vsel vm1, $0x3, v3;
	vm3 =	vgt.f32 v4, v5;
	v2 =	vsel vm2, v4, v2  }
0x21: {  	v6 =	vsel vm0, $0x3, v8;
	v3 =	vsel vm0, v8, v3;
	v2 =	vsel vm3, v5, v2  }
0x22: {  	v9 =	vsel vm3, $0x4, v6;
	v4 =	vsel vm3, v4, v5;
	vm0 =	vgt.f32 v7, v2  }
0x23: {  	v3 =	vsel vm2, $0x4, v3;
	vm1 =	vgt.f32 v7, v4;
	v5 =	vsel vm0, v7, v2;
	v2 =	vld [tilespmem:s10+$0x400]  }
0x24: {  	v3 =	vsel vm3, v6, v3;
	v6 =	vsel vm1, $0x5, v9;
	v5 =	vsel vm1, v4, v5  }
0x25: {  	v3 =	vsel vm0, $0x5, v3;
	v4 =	vsel vm1, v7, v4;
	vm2 =	vgt.f32 v1, v5  }
0x26: {  	v3 =	vsel vm1, v9, v3;
	vm0 =	vgt.f32 v1, v4;
	v5 =	vsel vm2, v1, v5  }
0x27: {  	v7 =	vsel vm2, $0x6, v3;
	v3 =	vsel vm0, v1, v4;
	v5 =	vsel vm0, v4, v5  }
0x28: {  	v4 =	vsel vm0, v6, v7;
	vm1 =	vgt.f32 v2, v3;
	vm2 =	vgt.f32 v2, v5  }
0x29: {  	v6 =	vsel vm0, $0x6, v6;
	vm1 =	vmneg vm1;
	v4 =	vsel vm2, $0x7, v4  }
0x2a: {  	v7 =	vsel vm1, v4, v6;
	v4 =	vsel vm2, v2, v5;
	v5 =	vnsel vm1, $0x7, v6  }
0x2b: {  	v6 =	vsel vm1, $0x0, v2;
	v4 =	vsel vm1, v4, v3;
	vm3 =	veq.s32 v7, $0x0  }
0x2c: {  	vm4 =	veq.s32 v7, $0x7;
	vm2 =	veq.s32 v7, $0x1;
	vm5 =	veq.s32 v7, $0x3  }
0x2d: {  	vm6 =	veq.s32 v7, $0x4;
	vm7 =	veq.s32 v7, $0x5;
	v63 =	vnsel vm4, $0x0, v4  }
0x2e: {  	vm8 =	veq.s32 v7, $0x6;
	vm9 =	veq.s32 v5, $0x0;
	v6 =	vadd.f32 v63, v6  }
0x2f: {  	vm10 =	veq.s32 v5, $0x1;
	vm11 =	veq.s32 v5, $0x2;
	vm14 =	veq.s32 v5, $0x3  }
0x30: {  	s11 =	simm.s32 $0xFFFFFF90;
	s12 =	simm.s32 $0xFFFFFE80;
	vm12 =	veq.s32 v5, $0x4;
	vm13 =	veq.s32 v5, $0x5;
	vm4 =	veq.s32 v7, $0x2;
	[tilespmem:s10+$0xC00] =	vst v6  }
.LBB2_2:
0x31: {  	p0 =	sne.s32 s12, $0xFFFFFFC0;
	v5 =	vld [tilespmem:s11+$0x80];
	v2 =	vsel vm1, v3, v2;
	v3 =	vnsel vm3, $0x0, v4;
	vm0 =	vmand vm0, vm1  }
0x32: {  	v7 =	vnsel vm2, $0x0, v4;
	v8 =	vnsel vm4, $0x0, v4;
	v9 =	vnsel vm5, $0x0, v4;
	v6 =	vld [tilespmem:s11+$0x100]  }
0x33: {  	v10 =	vnsel vm6, $0x0, v4;
	v11 =	vnsel vm7, $0x0, v4;
	v4 =	vnsel vm8, $0x0, v4  }
0x34: {  	v12 =	vnsel vm9, $0x0, v2;
	v13 =	vnsel vm10, $0x0, v2;
	v14 =	vnsel vm11, $0x0, v2  }
0x35: {  	v15 =	vnsel vm14, $0x0, v2;
	v16 =	vnsel vm12, $0x0, v2;
	v2 =	vnsel vm13, $0x0, v2  }
0x36: {  	v1 =	vnsel vm0, $0x0, v1;
	v3 =	vadd.f32 v3, v12;
	vm1 =	vgt.f32 v5, $-Inf;
	v17 =	vld [tilespmem:s11+$0x180]  }
0x37: {  	v5 =	vnsel vm1, $0xFF800000, v5;
	vm0 =	vlt.f32 v6, $-Inf;
	vm1 =	vgt.f32 v6, $-Inf  }
0x38: {  	vm2 =	vgt.f32 v6, v5;
	vm0 =	vmor vm1, vm0;
	[tilespmem:s10+$0x880] =	vst v3;
	v3 =	vadd.f32 v7, v13  }
0x39: {  	v8 =	vadd.f32 v8, v14;
	vm1 =	vmneg vm2;
	v7 =	vnsel vm0, $0xFF800000, v6;
	v12 =	vld [tilespmem:s11+$0x200]  }
0x3a: {  	v7 =	vsel vm1, v7, v5;
	[tilespmem:s10+$0x900] =	vst v3;
	v3 =	vadd.f32 v9, v15;
	v9 =	vadd.f32 v10, v16  }
0x3b: {  	v2 =	vadd.f32 v11, v2;
	v5 =	vsel vm1, v5, v6;
	vm3 =	vgt.f32 v17, v7;
	[tilespmem:s10+$0x980] =	vst v8  }
0x3c: {  	v1 =	vadd.f32 v4, v1;
	vm4 =	vgt.f32 v17, v5;
	v6 =	vsel vm3, v17, v7;
	v7 =	vld [tilespmem:s11+$0x280];
	[tilespmem:s10+$0xA00] =	vst v3  }
0x3d: {  	v3 =	vsel vm2, $0x1, v0;
	v4 =	vsel vm4, v5, v6;
	[tilespmem:s10+$0xA80] =	vst v9  }
0x3e: {  	vm0 =	vmand vm0, vm1;
	v5 =	vsel vm4, v17, v5;
	vm1 =	vgt.f32 v12, v4;
	[tilespmem:s10+$0xB00] =	vst v2  }
0x3f: {  	v2 =	vsel vm0, $0x1, v0;
	vm0 =	vgt.f32 v12, v5;
	v4 =	vsel vm1, v12, v4;
	v6 =	vld [tilespmem:s11+$0x300];
	[tilespmem:s10+$0xB80] =	vst v1;
	s10 =	smov.u32 s11  }
0x40: {  	v1 =	vsel vm3, $0x2, v2;
	v2 =	vsel vm4, $0x2, v3;
	v4 =	vsel vm0, v5, v4  }
0x41: {  	v3 =	vsel vm4, v3, v1;
	v5 =	vsel vm0, v12, v5;
	vm2 =	vgt.f32 v7, v4  }
0x42: {  	v8 =	vsel vm0, $0x3, v2;
	vm3 =	vgt.f32 v7, v5;
	v4 =	vsel vm2, v7, v4;
	v1 =	vld [tilespmem:s10+$0x380]  }
0x43: {  	v3 =	vsel vm1, $0x3, v3;
	v9 =	vsel vm3, $0x4, v8;
	v4 =	vsel vm3, v5, v4  }
0x44: {  	v2 =	vsel vm0, v2, v3;
	v3 =	vsel vm3, v7, v5;
	vm0 =	vgt.f32 v6, v4  }
0x45: {  	v5 =	vsel vm2, $0x4, v2;
	vm1 =	vgt.f32 v6, v3;
	v4 =	vsel vm0, v6, v4;
	v2 =	vld [tilespmem:s10+$0x400]  }
0x46: {  	v5 =	vsel vm3, v8, v5;
	v7 =	vsel vm1, $0x5, v9;
	v4 =	vsel vm1, v3, v4  }
0x47: {  	v5 =	vsel vm0, $0x5, v5;
	v3 =	vsel vm1, v6, v3;
	vm2 =	vgt.f32 v1, v4  }
0x48: {  	v5 =	vsel vm1, v9, v5;
	vm0 =	vgt.f32 v1, v3;
	v4 =	vsel vm2, v1, v4  }
0x49: {  	v5 =	vsel vm2, $0x6, v5;
	v4 =	vsel vm0, v3, v4;
	v3 =	vsel vm0, v1, v3  }
0x4a: {  	v5 =	vsel vm0, v7, v5;
	vm1 =	vgt.f32 v2, v3;
	vm2 =	vgt.f32 v2, v4  }
0x4b: {  	v6 =	vsel vm0, $0x6, v7;
	vm1 =	vmneg vm1;
	v5 =	vsel vm2, $0x7, v5  }
0x4c: {  	v4 =	vsel vm2, v2, v4;
	v5 =	vsel vm1, v5, v6;
	v6 =	vnsel vm1, $0x7, v6  }
0x4d: {  	v4 =	vsel vm1, v4, v3;
	vm3 =	veq.s32 v5, $0x0;
	vm4 =	veq.s32 v5, $0x7  }
.Ltmp0:
0x4e: {  	v7 =	vsel vm1, $0x0, v2;
	vm2 =	veq.s32 v5, $0x1;
	v8 =	vnsel vm4, $0x0, v4;
	(pc) =	sbr.rel @p0 .LBB2_2-.Ltmp0, $4  }
0x4f: {  	vm5 =	veq.s32 v5, $0x3;
	vm4 =	veq.s32 v5, $0x2;
	v7 =	vadd.f32 v8, v7  }
0x50: {  	vm6 =	veq.s32 v5, $0x4;
	vm7 =	veq.s32 v5, $0x5;
	vm8 =	veq.s32 v5, $0x6  }
0x51: {  	vm9 =	veq.s32 v6, $0x0;
	vm10 =	veq.s32 v6, $0x1;
	vm11 =	veq.s32 v6, $0x2;
	[tilespmem:s10+$0xC00] =	vst v7  }
0x52: {  	s11 =	sshra.s32 s12, $0x2;
	s12 =	sadd.s32 $0x40, s12;
	vm14 =	veq.s32 v6, $0x3;
	vm12 =	veq.s32 v6, $0x4;
	vm13 =	veq.s32 v6, $0x5  }
0x53: {  	v5 =	vld [tilespmem:s11+$0x80];
	v2 =	vsel vm1, v3, v2;
	v3 =	vnsel vm3, $0x0, v4;
	vm0 =	vmand vm0, vm1  }
0x54: {  	v6 =	vld [tilespmem:s11+$0x100];
	v7 =	vnsel vm2, $0x0, v4;
	v8 =	vnsel vm4, $0x0, v4;
	v9 =	vnsel vm5, $0x0, v4  }
0x55: {  	v10 =	vnsel vm6, $0x0, v4;
	v11 =	vnsel vm7, $0x0, v4;
	v39 =	vnsel vm8, $0x0, v4  }
0x56: {  	v12 =	vnsel vm9, $0x0, v2;
	v13 =	vnsel vm10, $0x0, v2;
	v14 =	vnsel vm11, $0x0, v2  }
0x57: {  	v15 =	vnsel vm14, $0x0, v2;
	v40 =	vnsel vm12, $0x0, v2;
	v2 =	vnsel vm13, $0x0, v2  }
0x58: {  	v16 =	vld [tilespmem:s11+$0x180];
	v1 =	vnsel vm0, $0x0, v1;
	v3 =	vadd.f32 v3, v12;
	vm9 =	vgt.f32 v5, $-Inf  }
0x59: {  	vm10 =	vlt.f32 v6, $-Inf;
	vm11 =	vgt.f32 v6, $-Inf;
	v5 =	vnsel vm9, $0xFF800000, v5  }
0x5a: {  	[tilespmem:s10+$0x880] =	vst v3;
	v3 =	vadd.f32 v7, v13;
	vm1 =	vmor vm11, vm10;
	vm12 =	vgt.f32 v6, v5  }
0x5b: {  	v8 =	vadd.f32 v8, v14;
	v41 =	vld [tilespmem:s11+$0x200];
	v42 =	vnsel vm1, $0xFF800000, v6;
	vm13 =	vmneg vm12  }
0x5c: {  	v9 =	vadd.f32 v9, v15;
	v10 =	vadd.f32 v10, v40;
	[tilespmem:s10+$0x900] =	vst v3;
	v3 =	vsel vm13, v42, v5  }
0x5d: {  	v2 =	vadd.f32 v11, v2;
	[tilespmem:s10+$0x980] =	vst v8;
	v5 =	vsel vm13, v5, v6;
	vm14 =	vgt.f32 v16, v3  }
0x5e: {  	v1 =	vadd.f32 v39, v1;
	v43 =	vld [tilespmem:s11+$0x280];
	[tilespmem:s10+$0xA00] =	vst v9;
	vm15 =	vgt.f32 v16, v5;
	v3 =	vsel vm14, v16, v3  }
0x5f: {  	[tilespmem:s10+$0xA80] =	vst v10;
	v44 =	vsel vm12, $0x1, v0;
	vm0 =	vmand vm1, vm13;
	v3 =	vsel vm15, v5, v3  }
0x60: {  	[tilespmem:s10+$0xB00] =	vst v2;
	v2 =	vsel vm0, $0x1, v0;
	v5 =	vsel vm15, v16, v5;
	vm6 =	vgt.f32 v41, v3  }
0x61: {  	v8 =	vld [tilespmem:s11+$0x300];
	v2 =	vsel vm14, $0x2, v2;
	vm7 =	vgt.f32 v41, v5;
	v3 =	vsel vm6, v41, v3  }
0x62: {  	v45 =	vsel vm15, $0x2, v44;
	v2 =	vsel vm15, v44, v2;
	v3 =	vsel vm7, v5, v3  }
0x63: {  	[tilespmem:s10+$0xB80] =	vst v1;
	v1 =	vsel vm7, v41, v5;
	v46 =	vsel vm7, $0x3, v45;
	vm8 =	vgt.f32 v43, v3  }
0x64: {  	v47 =	vld [tilespmem:s11+$0x380];
	v2 =	vsel vm6, $0x3, v2;
	vm9 =	vgt.f32 v43, v1;
	v3 =	vsel vm8, v43, v3  }
0x65: {  	v2 =	vsel vm7, v45, v2;
	v48 =	vsel vm9, $0x4, v46;
	v3 =	vsel vm9, v1, v3  }
0x66: {  	v2 =	vsel vm8, $0x4, v2;
	v1 =	vsel vm9, v43, v1;
	vm10 =	vgt.f32 v8, v3  }
0x67: {  	v49 =	vld [tilespmem:s11+$0x400];
	v2 =	vsel vm9, v46, v2;
	vm11 =	vgt.f32 v8, v1;
	v3 =	vsel vm10, v8, v3  }
0x68: {  	v50 =	vsel vm11, $0x5, v48;
	v2 =	vsel vm10, $0x5, v2;
	v3 =	vsel vm11, v1, v3  }
0x69: {  	v1 =	vsel vm11, v8, v1;
	v2 =	vsel vm11, v48, v2;
	vm12 =	vgt.f32 v47, v3  }
0x6a: {  	vm0 =	vgt.f32 v47, v1;
	v3 =	vsel vm12, v47, v3;
	v2 =	vsel vm12, $0x6, v2  }
0x6b: {  	v4 =	vsel vm0, $0x6, v50;
	v3 =	vsel vm0, v1, v3;
	v1 =	vsel vm0, v47, v1  }
0x6c: {  	v2 =	vsel vm0, v50, v2;
	vm13 =	vgt.f32 v49, v1;
	vm14 =	vgt.f32 v49, v3  }
0x6d: {  	vm1 =	vmneg vm13;
	v2 =	vsel vm14, $0x7, v2;
	v3 =	vsel vm14, v49, v3  }
0x6e: {  	v2 =	vsel vm1, v2, v4;
	v4 =	vnsel vm1, $0x7, v4;
	v3 =	vsel vm1, v3, v1  }
0x6f: {  	v51 =	vsel vm1, $0x0, v49;
	v1 =	vsel vm1, v1, v49;
	vm0 =	vmand vm0, vm1  }
0x70: {  	vm2 =	veq.s32 v2, $0x0;
	vm15 =	veq.s32 v2, $0x7;
	vm4 =	veq.s32 v2, $0x1  }
0x71: {  	vm3 =	veq.s32 v2, $0x2;
	vm5 =	veq.s32 v2, $0x3;
	vm6 =	veq.s32 v2, $0x4  }
0x72: {  	vm7 =	veq.s32 v2, $0x5;
	vm8 =	veq.s32 v2, $0x6;
	vm9 =	veq.s32 v4, $0x0  }
0x73: {  	vm10 =	veq.s32 v4, $0x1;
	vm11 =	veq.s32 v4, $0x2;
	vm12 =	veq.s32 v4, $0x3  }
0x74: {  	vm13 =	veq.s32 v4, $0x4;
	vm14 =	veq.s32 v4, $0x5;
	v52 =	vnsel vm15, $0x0, v3  }
0x75: {  	v2 =	vnsel vm2, $0x0, v3;
	v53 =	vnsel vm9, $0x0, v1;
	v7 =	vadd.f32 v52, v51  }
0x76: {  	v54 =	vnsel vm4, $0x0, v3;
	v55 =	vnsel vm10, $0x0, v1;
	v2 =	vadd.f32 v2, v53  }
0x77: {  	v58 =	vnsel vm5, $0x0, v3;
	v59 =	vnsel vm12, $0x0, v1;
	v6 =	vadd.f32 v54, v55;
	[tilespmem:s11+$0xC00] =	vst v7  }
0x78: {  	v56 =	vnsel vm3, $0x0, v3;
	v57 =	vnsel vm11, $0x0, v1;
	v62 =	vadd.f32 v58, v59;
	[tilespmem:s11+$0x880] =	vst v2  }
0x79: {  	v60 =	vnsel vm6, $0x0, v3;
	v61 =	vnsel vm13, $0x0, v1;
	v2 =	vadd.f32 v56, v57;
	[tilespmem:s11+$0x900] =	vst v6  }
0x7a: {  	v63 =	vnsel vm7, $0x0, v3;
	v1 =	vnsel vm14, $0x0, v1;
	v4 =	vadd.f32 v60, v61;
	[tilespmem:s11+$0xA00] =	vst v62  }
0x7b: {  	v1 =	vadd.f32 v63, v1;
	[tilespmem:s11+$0x980] =	vst v2;
	v2 =	vnsel vm8, $0x0, v3;
	v3 =	vnsel vm0, $0x0, v47  }
0x7c: {  	[tilespmem:s11+$0xA80] =	vst v4;
	v2 =	vadd.f32 v2, v3  }
0x7d: {  	[tilespmem:s11+$0xB00] =	vst v1  }
0x7e: {  	[tilespmem:s11+$0xB80] =	vst v2  }
0x7f: {  	_ =	strace $0x9000004A  }
0x80: {  	s9 =	sadd.s32 $0x1, s9;
	_ =	strace $0x8000004B  }
0x81: {  	[hbm4b:s4+s2] =	stream.linear.scatter [tilespmem:s7], [sflag:$0x3], $0x400, $0x200038;
	[tilespmem:$0x1000] =	vst v63  }
0x82: {  	p0 =	sne.s32 s9, s5;
	_ =	strace $0x9000004B  }
.Ltmp1:
0x83: {  	_ =	strace $0x8000004C;
	(pc) =	sbr.rel @p0 .LBB2_1-.Ltmp1, $4  }
0x84: {  	_ =	swait.ge [sflag:s8], $0x400  }
0x85: {  	[sflag:s8] =	ssyncset.done $0x0  }
0x86: {  	[sflag:s8] =	ssyncadd.s32 $0xFFFFFC00  }
0x87: {  	_ =	strace $0x9000004C  }
0x88: {  	_ =	sfence.sel $0x180000  }
0x89: {  	[bflag:$0x0] =	sbarrier.arrive $0xFFFF  }
0x8a: {  	p0 =	sne.s32 s1, $0x0;
	_ =	strace $0x90000047  }
0x8b: {  	s0 =	sadd.s32 @!p0 $0x100000, s0;
	[bflag:$0x2] =	sbarrier.arrive $0xFFFF  }
0x8c: {  	[sflag:s0] =	ssyncadd.tile.s32 @!p0 $0x1;
	_ =	shalt  }
.Lfunc_end2:
_tile_overlayer_lowered:
.L_overlay_start_2:
0x8d: {  	(tag) =	ssettag $0x2  }
0x8e: {  	s0 =	rddreg [dreg:$0x0];
	s2 =	stileid.u32  }
0x8f: {  	s1 =	rddreg [dreg:$0x1];
	p0 =	sne.s32 s2, $0x0  }
0x90: {  	s3 =	rddreg [dreg:$0x2];
	[bflag:$0x3] =	sbarrier.arrive $0xFFFF;
	s2 =	simm.s32 @!p0 $0x1C01  }
0x91: {  	[timem:s3], [sflag:s2] =	dma.local @!p0 [hbm:s0], s1  }
0x92: {  	s0 =	simm.s32 @!p0 $0x1  }
0x93: {  	_ =	swait.ge @!p0 [sflag:s0], s1  }
0x94: {  	s1 =	ssub.s32 @!p0 $0x0, s1;
	[sflag:s0] =	ssyncset.done @!p0 $0x0  }
0x95: {  	[sflag:s0] =	ssyncadd.s32 @!p0 s1  }
0x96: {  	[bflag:$0x3] =	sbarrier.arrive $0xFFFF  }
0x97: {  	_ =	shalt  }

</sc_bundles>
